<compile_context>
chip_gen: v7x
topology: tpu7x:2x2x1
jax: 0.10.2.dev20260603
libtpu: 0.0.44.dev20260713+nightly
codegen_flags: <defaults>
</compile_context>

<pallas_src>
import jax
import jax.numpy as jnp
from jax import lax
from jax.experimental import pallas as pl
from jax.experimental.pallas import tpu as pltpu
from jax.experimental.pallas import tpu_sc as plsc

_NX = 128
_C = 64
_LAMDIFF = 0.01
_DELTA = 0.001
_N = 320000

_NC = 2
_NS = 16
_NW = _NC * _NS
_G = 128
_NGRP = _N // _G

_B = 2048
_NTC = 104448
_NB = _NTC // _B
_G0 = _NTC // _G
_ROUNDS = -(-(_NGRP - _G0) // _NW)


def _sc_segment_sums(x_hbm, y_hbm, zsum_hbm,
                     sums_out, cnts_out,
                     xbuf0, xbuf1, xbuf2, ybuf0, ybuf1, ybuf2,
                     sem0, sem1, sem2, ssem,
                     cnt_v, ssum):
    c = lax.axis_index("c")
    s = lax.axis_index("s")
    wid = c * _NS + s
    xbufs = (xbuf0, xbuf1, xbuf2)
    ybufs = (ybuf0, ybuf1, ybuf2)
    sems = (sem0, sem1, sem2)
    zi = jnp.zeros((16,), jnp.int32)

    @pl.when(s == 0)
    def _():
        pltpu.sync_copy(zsum_hbm, ssum)

    def zc(j, carry):
        cnt_v[j, :] = zi
        return carry

    lax.fori_loop(0, _C, zc, 0)
    plsc.subcore_barrier()

    def start_load(g, b):
        @pl.when(g < _NGRP)
        def _():
            pltpu.async_copy(x_hbm.at[pl.ds(g * _G, _G)], xbufs[b], sems[b])
            pltpu.async_copy(y_hbm.at[g], ybufs[b], sems[b])

    def wait_load(g, b):
        pltpu.make_async_copy(x_hbm.at[pl.ds(g * _G, _G)], xbufs[b],
                              sems[b]).wait()
        pltpu.make_async_copy(y_hbm.at[g], ybufs[b], sems[b]).wait()

    def count_group(b):
        def kb(k, carry):
            base = k * 16
            accs = tuple(cnt_v[base + cc, :] for cc in range(16))

            def jb(j, a):
                yv = ybufs[b][pl.ds(j * 16, 16)]
                return tuple(
                    a[cc] + jnp.where(yv == (base + cc), 1, 0)
                    for cc in range(16))

            accs = lax.fori_loop(0, _G // 16, jb, accs)
            for cc in range(16):
                cnt_v[base + cc, :] = accs[cc]
            return carry

        lax.fori_loop(0, 4, kb, 0)

    def consume(g, b):
        @pl.when(g < _NGRP)
        def _():
            wait_load(g, b)
            pltpu.async_copy(xbufs[b], ssum.at[ybufs[b]], ssem, add=True)
            count_group(b)
            pltpu.make_async_copy(xbufs[b], ssum.at[ybufs[b]],
                                  ssem).wait()

    start_load(_G0 + wid, 0)
    start_load(_G0 + wid + _NW, 1)
    start_load(_G0 + wid + 2 * _NW, 2)

    def round_body(k, carry):
        for i in range(3):
            g = _G0 + wid + (3 * k + i) * _NW
            consume(g, i)
            start_load(g + 3 * _NW, i)
        return carry

    lax.fori_loop(0, -(-_ROUNDS // 3), round_body, 0)
    pltpu.sync_copy(cnt_v, cnts_out.at[wid])
    plsc.subcore_barrier()

    @pl.when(s == 0)
    def _():
        pltpu.sync_copy(ssum, sums_out.at[c])


@jax.jit
def _sc_call(x, y2, zsum):
    mesh = plsc.VectorSubcoreMesh(core_axis_name="c", subcore_axis_name="s",
                                  num_cores=_NC, num_subcores=_NS)
    return pl.kernel(
        _sc_segment_sums,
        out_type=(
            jax.ShapeDtypeStruct((_NC, _C, _NX), jnp.float32),
            jax.ShapeDtypeStruct((_NW, _C, 16), jnp.int32),
        ),
        mesh=mesh,
        scratch_types=[
            pltpu.VMEM((_G, _NX), jnp.float32),
            pltpu.VMEM((_G, _NX), jnp.float32),
            pltpu.VMEM((_G, _NX), jnp.float32),
            pltpu.VMEM((_G,), jnp.int32),
            pltpu.VMEM((_G,), jnp.int32),
            pltpu.VMEM((_G,), jnp.int32),
            pltpu.SemaphoreType.DMA,
            pltpu.SemaphoreType.DMA,
            pltpu.SemaphoreType.DMA,
            pltpu.SemaphoreType.DMA,
            pltpu.VMEM((_C, 16), jnp.int32),
            pltpu.VMEM_SHARED((_C, _NX), jnp.float32),
        ],
    )(x, y2, zsum)


def _tc_segsum(y_ref, x_ref, sums_ref, cnts_ref):
    i = pl.program_id(0)
    labels = y_ref[0, 0, :]
    oh = (labels[:, None]
          == lax.broadcasted_iota(jnp.int32, (1, _C), 1)).astype(jnp.float32)
    part = lax.dot_general(oh, x_ref[...], (((0,), (0,)), ((), ())),
                           preferred_element_type=jnp.float32)
    cnt = jnp.sum(oh, axis=0)[:, None]

    @pl.when(i == 0)
    def _():
        sums_ref[...] = part
        cnts_ref[...] = cnt

    @pl.when(i > 0)
    def _():
        sums_ref[...] += part
        cnts_ref[...] += cnt


def _tc_epilogue(sums_ref, scnt_ref, tsum_ref, tcnt_ref,
                 m1_ref, m2_ref, l1_ref, l2_ref, o_ref):
    sums = sums_ref[0] + sums_ref[1] + tsum_ref[...]
    sc_cnt = jnp.sum(scnt_ref[...].astype(jnp.float32), axis=0)
    counts = jnp.sum(sc_cnt, axis=1, keepdims=True) + tcnt_ref[...]
    xbar = sums / counts
    m1 = m1_ref[...]
    m2 = m2_ref[...]
    dd1 = xbar - m1
    dd2 = xbar - m2
    d1 = jnp.sum(dd1 * dd1, axis=1, keepdims=True)
    d2 = jnp.sum(dd2 * dd2, axis=1, keepdims=True)
    cond = d1 < d2
    l1 = l1_ref[...]
    l2 = l2_ref[...]
    l1a = jnp.clip(l1 - _DELTA, 0.0, 1.0)
    l2a = l1a + _LAMDIFF
    l2b = jnp.clip(l2 + _DELTA, 0.0, 1.0)
    l1b = l2b - _LAMDIFF
    l1n = jnp.where(cond, l1a, l1b)
    l2n = jnp.where(cond, l2a, l2b)
    m1n = (1.0 - l1n) * xbar + l1n * m1
    m2n = (1.0 - l2n) * xbar + l2n * m2
    me = 0.5 * (m1n + m2n)
    colsum = jnp.sum(me, axis=0, keepdims=True)
    val = _C * jnp.sum(me * me) - jnp.sum(colsum * colsum)
    o_ref[...] = jnp.sqrt(jnp.maximum(val, 0.0)).reshape(1, 1)


def kernel(x, y, m1, m2, lam1, lam2):
    y2 = y.reshape(_NGRP, _G)
    zsum = jnp.zeros((_C, _NX), jnp.float32)
    sums, scnt = _sc_call(x, y2, zsum)

    y_tc = y[:_NTC].reshape(_NB, 1, _B)
    tsum, tcnt = pl.pallas_call(
        _tc_segsum,
        grid=(_NB,),
        in_specs=[
            pl.BlockSpec((1, 1, _B), lambda i: (i, 0, 0)),
            pl.BlockSpec((_B, _NX), lambda i: (i, 0)),
        ],
        out_specs=[
            pl.BlockSpec((_C, _NX), lambda i: (0, 0)),
            pl.BlockSpec((_C, 1), lambda i: (0, 0)),
        ],
        out_shape=[
            jax.ShapeDtypeStruct((_C, _NX), jnp.float32),
            jax.ShapeDtypeStruct((_C, 1), jnp.float32),
        ],
    )(y_tc, x)

    out = pl.pallas_call(
        _tc_epilogue,
        out_shape=jax.ShapeDtypeStruct((1, 1), jnp.float32),
    )(sums, scnt, tsum, tcnt, m1, m2,
      lam1.reshape(_C, 1), lam2.reshape(_C, 1))
    return out[0, 0]

# --- scband reference (transcript-rebuilt; emitter-appended) ---
"""Pipeline reference for scband-moving-average-filter-66907000537548 (READ-ONLY COPY).

The authoritative reference and input builder live on the scoring server;
editing this copy changes nothing except your own understanding.
"""

import jax, jax.numpy as jnp
import numpy as np

NX = 128
C = 64
LAMDIFF = 0.01
DELTA = 0.001
N = 320000


def setup_inputs(seed: int = 0):
    key = jax.random.key(seed)
    k1, k2 = jax.random.split(key)
    x = jax.random.normal(k1, (N, NX), dtype=jnp.float32)
    y = jax.random.randint(k2, (N,), 0, C, dtype=jnp.int32)
    m1 = jnp.zeros((C, NX), dtype=jnp.float32)
    m2 = jnp.zeros((C, NX), dtype=jnp.float32)
    lam1 = jnp.ones((C,), dtype=jnp.float32) * 0.5
    lam2 = lam1 + LAMDIFF
    return {"x": x, "y": y, "m1": m1, "m2": m2, "lam1": lam1, "lam2": lam2}


def reference(x, y, m1, m2, lam1, lam2):
    # per-class mean via segment reduction (equivalent to the per-label boolean-mask means)
    num_c = m1.shape[0]
    ones = jnp.ones((x.shape[0],), dtype=x.dtype)
    counts = jax.ops.segment_sum(ones, y, num_segments=num_c)
    sums = jax.ops.segment_sum(x, y, num_segments=num_c)
    xbar = sums / counts[:, None]
    # adaptive forgetting factor update (vectorized over classes)
    d1 = jnp.linalg.norm(xbar - m1, axis=1)
    d2 = jnp.linalg.norm(xbar - m2, axis=1)
    cond = d1 < d2
    lam1_a = jnp.clip(lam1 - DELTA, 0.0, 1.0)
    lam2_a = lam1_a + LAMDIFF
    lam2_b = jnp.clip(lam2 + DELTA, 0.0, 1.0)
    lam1_b = lam2_b - LAMDIFF
    lam1_new = jnp.where(cond, lam1_a, lam1_b)
    lam2_new = jnp.where(cond, lam2_a, lam2_b)
    m1_new = (1.0 - lam1_new)[:, None] * xbar + lam1_new[:, None] * m1
    m2_new = (1.0 - lam2_new)[:, None] * xbar + lam2_new[:, None] * m2
    mean_estimate = 0.5 * (m1_new + m2_new)
    me = mean_estimate.T  # (nx, C)
    d = jnp.triu(me[..., None] - me[..., None, :], k=1)  # (nx, C, C)
    return jnp.sqrt(jnp.sum(d * d))

if __name__ == "__main__":
    import jax
    _d = setup_inputs()
    print(jax.jit(kernel)(*tuple(_d.values())))

</pallas_src>

<mosaic_0001>
#map = affine_map<(d0, d1) -> (0, 0)>
#map1 = affine_map<(d0, d1) -> (0, 0, 0)>
module attributes {stable_mosaic.version = 14 : i64} {
  func.func @_sc_segment_sums(%arg0: i32, %arg1: i32, %arg2: memref<320000x128xf32, #tpu.memory_space<hbm>>, %arg3: memref<2500x128xi32, #tpu.memory_space<hbm>>, %arg4: memref<64x128xf32, #tpu.memory_space<hbm>>, %arg5: memref<2x64x128xf32, #tpu.memory_space<hbm>>, %arg6: memref<32x64x16xi32, #tpu.memory_space<hbm>>, %arg7: memref<128x128xf32, #tpu.memory_space<vmem>>, %arg8: memref<128x128xf32, #tpu.memory_space<vmem>>, %arg9: memref<128x128xf32, #tpu.memory_space<vmem>>, %arg10: memref<128xi32, #tpu.memory_space<vmem>>, %arg11: memref<128xi32, #tpu.memory_space<vmem>>, %arg12: memref<128xi32, #tpu.memory_space<vmem>>, %arg13: memref<!tpu.dma_semaphore, #tpu.memory_space<semaphore_mem>>, %arg14: memref<!tpu.dma_semaphore, #tpu.memory_space<semaphore_mem>>, %arg15: memref<!tpu.dma_semaphore, #tpu.memory_space<semaphore_mem>>, %arg16: memref<!tpu.dma_semaphore, #tpu.memory_space<semaphore_mem>>, %arg17: memref<64x16xi32, #tpu.memory_space<vmem>>, %arg18: memref<64x128xf32, #tpu.memory_space<vmem_shared>>) attributes {dimension_semantics = [#tpu.dimension_semantics<core_parallel>, #tpu.dimension_semantics<subcore_parallel>], iteration_bounds = array<i64: 2, 16>, scalar_prefetch = 0 : i64, scratch_operands = 12 : i64, tpu.core_type = #tpu.core_type<sc_vector_subcore>, window_params = [{transform_indices = #map}, {transform_indices = #map}, {transform_indices = #map}, {transform_indices = #map1}, {transform_indices = #map1}]} {
    %mul3A = arith.constant 16 : i32
    %mul3A_0 = arith.muli %arg0, %mul3A : i32
    %add3A = arith.addi %mul3A_0, %arg1 : i32
    %broadcast_in_dim3A = arith.constant 0 : i32
    %broadcast_in_dim3A_1 = vector.broadcast %broadcast_in_dim3A : i32 to vector<16xi32>
    %eq3A = arith.constant 0 : i32
    %eq3A_2 = arith.cmpi eq, %arg1, %eq3A : i32
    %convert_element_type3A = arith.extui %eq3A_2 : i1 to i32
    %cond3A = arith.constant 0 : i32
    %cond3A_3 = arith.cmpi ne, %convert_element_type3A, %cond3A : i32
    scf.if %cond3A_3 {
      "tpu.region"() ({
        %run_scoped3A = tpu.sem_alloc : memref<!tpu.dma_semaphore, #tpu.memory_space<semaphore_mem>>
        tpu.enqueue_dma source(%arg4 : memref<64x128xf32, #tpu.memory_space<hbm>>) target(%arg18 : memref<64x128xf32, #tpu.memory_space<vmem_shared>>) target_semaphore(%run_scoped3A : memref<!tpu.dma_semaphore, #tpu.memory_space<semaphore_mem>>)
        tpu.wait_dma2 semaphore(%run_scoped3A : memref<!tpu.dma_semaphore, #tpu.memory_space<semaphore_mem>>) src(%arg4 : memref<64x128xf32, #tpu.memory_space<hbm>>) dst(%arg18 : memref<64x128xf32, #tpu.memory_space<vmem_shared>>)
        tpu.yield
      }) : () -> ()
    } else {
    }
    %scan3A = arith.constant 0 : i32
    %scan3A_4 = arith.constant 0 : i32
    %scan3A_5 = arith.constant 64 : i32
    %scan3A_6 = arith.addi %scan3A_4, %scan3A_5 : i32
    %scan3A_7 = arith.constant 1 : i32
    scf.for %scan3A_45 = %scan3A_4 to %scan3A_6 step %scan3A_7  : i32 {
      %swap3A = arith.index_cast %scan3A_45 : i32 to index
      %swap3A_46 = arith.constant 0 : index
      %swap3A_47 = tpu.vector_load %arg17[%swap3A, %swap3A_46] {strides = array<i32>} : memref<64x16xi32, #tpu.memory_space<vmem>>, vector<1x16xi32>,
      %swap3A_48 = vector.shape_cast %swap3A_47 : vector<1x16xi32> to vector<16xi32>
      %swap3A_49 = vector.shape_cast %broadcast_in_dim3A_1 : vector<16xi32> to vector<1x16xi32>
      tpu.vector_store %arg17[%swap3A, %swap3A_46], %swap3A_49 {strides = array<i32>} : memref<64x16xi32, #tpu.memory_space<vmem>>, vector<1x16xi32>,
    }
    %scan3A_8 = arith.constant 64 : i32
    %barrier3A = arith.constant 0 : index
    tpu.barrier barrier_id(%barrier3A)
    %add3A_9 = arith.constant 816 : i32
    %add3A_10 = arith.addi %add3A_9, %add3A : i32
    %lt3A = arith.constant 2500 : i32
    %lt3A_11 = arith.cmpi slt, %add3A_10, %lt3A : i32
    %convert_element_type3A_12 = arith.extui %lt3A_11 : i1 to i32
    %cond3A_13 = arith.constant 0 : i32
    %cond3A_14 = arith.cmpi ne, %convert_element_type3A_12, %cond3A_13 : i32
    scf.if %cond3A_14 {
      %mul3A_45 = arith.constant 128 : i32
      %mul3A_46 = arith.muli %add3A_10, %mul3A_45 : i32
      %dma_start3A = arith.constant 0 : i32
      %dma_start3A_47 = tpu.memref_slice %arg2[%mul3A_46, %dma_start3A] : memref<320000x128xf32, #tpu.memory_space<hbm>> -> memref<128x128xf32, #tpu.memory_space<hbm>>
      %dma_start3A_48 = arith.constant 0 : i32
      %dma_start3A_49 = tpu.memref_slice %arg2[%mul3A_46, %dma_start3A_48] : memref<320000x128xf32, #tpu.memory_space<hbm>> -> memref<128x128xf32, #tpu.memory_space<hbm>>
      tpu.enqueue_dma source(%dma_start3A_49 : memref<128x128xf32, #tpu.memory_space<hbm>>) target(%arg7 : memref<128x128xf32, #tpu.memory_space<vmem>>) target_semaphore(%arg13 : memref<!tpu.dma_semaphore, #tpu.memory_space<semaphore_mem>>)
      %dma_start3A_50 = arith.constant 0 : i32
      %dma_start3A_51 = tpu.memref_slice %arg3[%add3A_10, %dma_start3A_50] : memref<2500x128xi32, #tpu.memory_space<hbm>> -> memref<1x128xi32, #tpu.memory_space<hbm>>
      %dma_start3A_52 = tpu.memref_squeeze %dma_start3A_51 : memref<1x128xi32, #tpu.memory_space<hbm>> -> memref<128xi32, #tpu.memory_space<hbm>>
      %dma_start3A_53 = arith.constant 0 : i32
      %dma_start3A_54 = tpu.memref_slice %arg3[%add3A_10, %dma_start3A_53] : memref<2500x128xi32, #tpu.memory_space<hbm>> -> memref<1x128xi32, #tpu.memory_space<hbm>>
      %dma_start3A_55 = tpu.memref_squeeze %dma_start3A_54 : memref<1x128xi32, #tpu.memory_space<hbm>> -> memref<128xi32, #tpu.memory_space<hbm>>
      tpu.enqueue_dma source(%dma_start3A_55 : memref<128xi32, #tpu.memory_space<hbm>>) target(%arg10 : memref<128xi32, #tpu.memory_space<vmem>>) target_semaphore(%arg13 : memref<!tpu.dma_semaphore, #tpu.memory_space<semaphore_mem>>)
    } else {
    }
    %add3A_15 = arith.constant 816 : i32
    %add3A_16 = arith.addi %add3A_15, %add3A : i32
    %add3A_17 = arith.constant 32 : i32
    %add3A_18 = arith.addi %add3A_16, %add3A_17 : i32
    %lt3A_19 = arith.constant 2500 : i32
    %lt3A_20 = arith.cmpi slt, %add3A_18, %lt3A_19 : i32
    %convert_element_type3A_21 = arith.extui %lt3A_20 : i1 to i32
    %cond3A_22 = arith.constant 0 : i32
    %cond3A_23 = arith.cmpi ne, %convert_element_type3A_21, %cond3A_22 : i32
    scf.if %cond3A_23 {
      %mul3A_45 = arith.constant 128 : i32
      %mul3A_46 = arith.muli %add3A_18, %mul3A_45 : i32
      %dma_start3A = arith.constant 0 : i32
      %dma_start3A_47 = tpu.memref_slice %arg2[%mul3A_46, %dma_start3A] : memref<320000x128xf32, #tpu.memory_space<hbm>> -> memref<128x128xf32, #tpu.memory_space<hbm>>
      %dma_start3A_48 = arith.constant 0 : i32
      %dma_start3A_49 = tpu.memref_slice %arg2[%mul3A_46, %dma_start3A_48] : memref<320000x128xf32, #tpu.memory_space<hbm>> -> memref<128x128xf32, #tpu.memory_space<hbm>>
      tpu.enqueue_dma source(%dma_start3A_49 : memref<128x128xf32, #tpu.memory_space<hbm>>) target(%arg8 : memref<128x128xf32, #tpu.memory_space<vmem>>) target_semaphore(%arg14 : memref<!tpu.dma_semaphore, #tpu.memory_space<semaphore_mem>>)
      %dma_start3A_50 = arith.constant 0 : i32
      %dma_start3A_51 = tpu.memref_slice %arg3[%add3A_18, %dma_start3A_50] : memref<2500x128xi32, #tpu.memory_space<hbm>> -> memref<1x128xi32, #tpu.memory_space<hbm>>
      %dma_start3A_52 = tpu.memref_squeeze %dma_start3A_51 : memref<1x128xi32, #tpu.memory_space<hbm>> -> memref<128xi32, #tpu.memory_space<hbm>>
      %dma_start3A_53 = arith.constant 0 : i32
      %dma_start3A_54 = tpu.memref_slice %arg3[%add3A_18, %dma_start3A_53] : memref<2500x128xi32, #tpu.memory_space<hbm>> -> memref<1x128xi32, #tpu.memory_space<hbm>>
      %dma_start3A_55 = tpu.memref_squeeze %dma_start3A_54 : memref<1x128xi32, #tpu.memory_space<hbm>> -> memref<128xi32, #tpu.memory_space<hbm>>
      tpu.enqueue_dma source(%dma_start3A_55 : memref<128xi32, #tpu.memory_space<hbm>>) target(%arg11 : memref<128xi32, #tpu.memory_space<vmem>>) target_semaphore(%arg14 : memref<!tpu.dma_semaphore, #tpu.memory_space<semaphore_mem>>)
    } else {
    }
    %add3A_24 = arith.constant 816 : i32
    %add3A_25 = arith.addi %add3A_24, %add3A : i32
    %add3A_26 = arith.constant 64 : i32
    %add3A_27 = arith.addi %add3A_25, %add3A_26 : i32
    %lt3A_28 = arith.constant 2500 : i32
    %lt3A_29 = arith.cmpi slt, %add3A_27, %lt3A_28 : i32
    %convert_element_type3A_30 = arith.extui %lt3A_29 : i1 to i32
    %cond3A_31 = arith.constant 0 : i32
    %cond3A_32 = arith.cmpi ne, %convert_element_type3A_30, %cond3A_31 : i32
    scf.if %cond3A_32 {
      %mul3A_45 = arith.constant 128 : i32
      %mul3A_46 = arith.muli %add3A_27, %mul3A_45 : i32
      %dma_start3A = arith.constant 0 : i32
      %dma_start3A_47 = tpu.memref_slice %arg2[%mul3A_46, %dma_start3A] : memref<320000x128xf32, #tpu.memory_space<hbm>> -> memref<128x128xf32, #tpu.memory_space<hbm>>
      %dma_start3A_48 = arith.constant 0 : i32
      %dma_start3A_49 = tpu.memref_slice %arg2[%mul3A_46, %dma_start3A_48] : memref<320000x128xf32, #tpu.memory_space<hbm>> -> memref<128x128xf32, #tpu.memory_space<hbm>>
      tpu.enqueue_dma source(%dma_start3A_49 : memref<128x128xf32, #tpu.memory_space<hbm>>) target(%arg9 : memref<128x128xf32, #tpu.memory_space<vmem>>) target_semaphore(%arg15 : memref<!tpu.dma_semaphore, #tpu.memory_space<semaphore_mem>>)
      %dma_start3A_50 = arith.constant 0 : i32
      %dma_start3A_51 = tpu.memref_slice %arg3[%add3A_27, %dma_start3A_50] : memref<2500x128xi32, #tpu.memory_space<hbm>> -> memref<1x128xi32, #tpu.memory_space<hbm>>
      %dma_start3A_52 = tpu.memref_squeeze %dma_start3A_51 : memref<1x128xi32, #tpu.memory_space<hbm>> -> memref<128xi32, #tpu.memory_space<hbm>>
      %dma_start3A_53 = arith.constant 0 : i32
      %dma_start3A_54 = tpu.memref_slice %arg3[%add3A_27, %dma_start3A_53] : memref<2500x128xi32, #tpu.memory_space<hbm>> -> memref<1x128xi32, #tpu.memory_space<hbm>>
      %dma_start3A_55 = tpu.memref_squeeze %dma_start3A_54 : memref<1x128xi32, #tpu.memory_space<hbm>> -> memref<128xi32, #tpu.memory_space<hbm>>
      tpu.enqueue_dma source(%dma_start3A_55 : memref<128xi32, #tpu.memory_space<hbm>>) target(%arg12 : memref<128xi32, #tpu.memory_space<vmem>>) target_semaphore(%arg15 : memref<!tpu.dma_semaphore, #tpu.memory_space<semaphore_mem>>)
    } else {
    }
    %scan3A_33 = arith.constant 0 : i32
    %scan3A_34 = arith.constant 0 : i32
    %scan3A_35 = arith.constant 18 : i32
    %scan3A_36 = arith.addi %scan3A_34, %scan3A_35 : i32
    %scan3A_37 = arith.constant 1 : i32
    scf.for %scan3A_45 = %scan3A_34 to %scan3A_36 step %scan3A_37  : i32 {
      %add3A_46 = arith.constant 816 : i32
      %add3A_47 = arith.addi %add3A_46, %add3A : i32
      %mul3A_48 = arith.constant 3 : i32
      %mul3A_49 = arith.muli %mul3A_48, %scan3A_45 : i32
      %add3A_50 = arith.constant 0 : i32
      %add3A_51 = arith.addi %mul3A_49, %add3A_50 : i32
      %mul3A_52 = arith.constant 32 : i32
      %mul3A_53 = arith.muli %add3A_51, %mul3A_52 : i32
      %add3A_54 = arith.addi %add3A_47, %mul3A_53 : i32
      %lt3A_55 = arith.constant 2500 : i32
      %lt3A_56 = arith.cmpi slt, %add3A_54, %lt3A_55 : i32
      %convert_element_type3A_57 = arith.extui %lt3A_56 : i1 to i32
      %cond3A_58 = arith.constant 0 : i32
      %cond3A_59 = arith.cmpi ne, %convert_element_type3A_57, %cond3A_58 : i32
      scf.if %cond3A_59 {
        %mul3A_109 = arith.constant 128 : i32
        %mul3A_110 = arith.muli %add3A_54, %mul3A_109 : i32
        %dma_wait3A = arith.constant 0 : i32
        %dma_wait3A_111 = tpu.memref_slice %arg2[%mul3A_110, %dma_wait3A] : memref<320000x128xf32, #tpu.memory_space<hbm>> -> memref<128x128xf32, #tpu.memory_space<hbm>>
        %dma_wait3A_112 = arith.constant 0 : i32
        %dma_wait3A_113 = tpu.memref_slice %arg2[%mul3A_110, %dma_wait3A_112] : memref<320000x128xf32, #tpu.memory_space<hbm>> -> memref<128x128xf32, #tpu.memory_space<hbm>>
        tpu.wait_dma2 semaphore(%arg13 : memref<!tpu.dma_semaphore, #tpu.memory_space<semaphore_mem>>) src(%dma_wait3A_113 : memref<128x128xf32, #tpu.memory_space<hbm>>) dst(%arg7 : memref<128x128xf32, #tpu.memory_space<vmem>>)
        %dma_wait3A_114 = arith.constant 0 : i32
        %dma_wait3A_115 = tpu.memref_slice %arg3[%add3A_54, %dma_wait3A_114] : memref<2500x128xi32, #tpu.memory_space<hbm>> -> memref<1x128xi32, #tpu.memory_space<hbm>>
        %dma_wait3A_116 = tpu.memref_squeeze %dma_wait3A_115 : memref<1x128xi32, #tpu.memory_space<hbm>> -> memref<128xi32, #tpu.memory_space<hbm>>
        %dma_wait3A_117 = arith.constant 0 : i32
        %dma_wait3A_118 = tpu.memref_slice %arg3[%add3A_54, %dma_wait3A_117] : memref<2500x128xi32, #tpu.memory_space<hbm>> -> memref<1x128xi32, #tpu.memory_space<hbm>>
        %dma_wait3A_119 = tpu.memref_squeeze %dma_wait3A_118 : memref<1x128xi32, #tpu.memory_space<hbm>> -> memref<128xi32, #tpu.memory_space<hbm>>
        tpu.wait_dma2 semaphore(%arg13 : memref<!tpu.dma_semaphore, #tpu.memory_space<semaphore_mem>>) src(%dma_wait3A_119 : memref<128xi32, #tpu.memory_space<hbm>>) dst(%arg10 : memref<128xi32, #tpu.memory_space<vmem>>)
        %dma_start3A = arith.constant 0 : i32
        %dma_start3A_120 = arith.constant 0 : i32
        %dma_start3A_121 = tpu.memref_slice %arg18[%dma_start3A, %dma_start3A_120] : memref<64x128xf32, #tpu.memory_space<vmem_shared>> -> memref<64x128xf32, #tpu.memory_space<vmem_shared>>
        tpu.enqueue_indirect_dma source(%arg7 : memref<128x128xf32, #tpu.memory_space<vmem>>) target(%dma_start3A_121 : memref<64x128xf32, #tpu.memory_space<vmem_shared>>) offsets(%arg10 : memref<128xi32, #tpu.memory_space<vmem>>) semaphore(%arg16 : memref<!tpu.dma_semaphore, #tpu.memory_space<semaphore_mem>>) {add = true}
        %scan3A_122 = arith.constant 0 : i32
        %scan3A_123 = arith.constant 0 : i32
        %scan3A_124 = arith.constant 4 : i32
        %scan3A_125 = arith.addi %scan3A_123, %scan3A_124 : i32
        %scan3A_126 = arith.constant 1 : i32
        scf.for %scan3A_131 = %scan3A_123 to %scan3A_125 step %scan3A_126  : i32 {
          %mul3A_132 = arith.constant 16 : i32
          %mul3A_133 = arith.muli %scan3A_131, %mul3A_132 : i32
          %add3A_134 = arith.constant 0 : i32
          %add3A_135 = arith.addi %mul3A_133, %add3A_134 : i32
          %get3A = arith.index_cast %add3A_135 : i32 to index
          %get3A_136 = arith.constant 0 : index
          %get3A_137 = tpu.vector_load %arg17[%get3A, %get3A_136] {strides = array<i32>} : memref<64x16xi32, #tpu.memory_space<vmem>>, vector<1x16xi32>,
          %get3A_138 = vector.shape_cast %get3A_137 : vector<1x16xi32> to vector<16xi32>
          %add3A_139 = arith.constant 1 : i32
          %add3A_140 = arith.addi %mul3A_133, %add3A_139 : i32
          %get3A_141 = arith.index_cast %add3A_140 : i32 to index
          %get3A_142 = arith.constant 0 : index
          %get3A_143 = tpu.vector_load %arg17[%get3A_141, %get3A_142] {strides = array<i32>} : memref<64x16xi32, #tpu.memory_space<vmem>>, vector<1x16xi32>,
          %get3A_144 = vector.shape_cast %get3A_143 : vector<1x16xi32> to vector<16xi32>
          %add3A_145 = arith.constant 2 : i32
          %add3A_146 = arith.addi %mul3A_133, %add3A_145 : i32
          %get3A_147 = arith.index_cast %add3A_146 : i32 to index
          %get3A_148 = arith.constant 0 : index
          %get3A_149 = tpu.vector_load %arg17[%get3A_147, %get3A_148] {strides = array<i32>} : memref<64x16xi32, #tpu.memory_space<vmem>>, vector<1x16xi32>,
          %get3A_150 = vector.shape_cast %get3A_149 : vector<1x16xi32> to vector<16xi32>
          %add3A_151 = arith.constant 3 : i32
          %add3A_152 = arith.addi %mul3A_133, %add3A_151 : i32
          %get3A_153 = arith.index_cast %add3A_152 : i32 to index
          %get3A_154 = arith.constant 0 : index
          %get3A_155 = tpu.vector_load %arg17[%get3A_153, %get3A_154] {strides = array<i32>} : memref<64x16xi32, #tpu.memory_space<vmem>>, vector<1x16xi32>,
          %get3A_156 = vector.shape_cast %get3A_155 : vector<1x16xi32> to vector<16xi32>
          %add3A_157 = arith.constant 4 : i32
          %add3A_158 = arith.addi %mul3A_133, %add3A_157 : i32
          %get3A_159 = arith.index_cast %add3A_158 : i32 to index
          %get3A_160 = arith.constant 0 : index
          %get3A_161 = tpu.vector_load %arg17[%get3A_159, %get3A_160] {strides = array<i32>} : memref<64x16xi32, #tpu.memory_space<vmem>>, vector<1x16xi32>,
          %get3A_162 = vector.shape_cast %get3A_161 : vector<1x16xi32> to vector<16xi32>
          %add3A_163 = arith.constant 5 : i32
          %add3A_164 = arith.addi %mul3A_133, %add3A_163 : i32
          %get3A_165 = arith.index_cast %add3A_164 : i32 to index
          %get3A_166 = arith.constant 0 : index
          %get3A_167 = tpu.vector_load %arg17[%get3A_165, %get3A_166] {strides = array<i32>} : memref<64x16xi32, #tpu.memory_space<vmem>>, vector<1x16xi32>,
          %get3A_168 = vector.shape_cast %get3A_167 : vector<1x16xi32> to vector<16xi32>
          %add3A_169 = arith.constant 6 : i32
          %add3A_170 = arith.addi %mul3A_133, %add3A_169 : i32
          %get3A_171 = arith.index_cast %add3A_170 : i32 to index
          %get3A_172 = arith.constant 0 : index
          %get3A_173 = tpu.vector_load %arg17[%get3A_171, %get3A_172] {strides = array<i32>} : memref<64x16xi32, #tpu.memory_space<vmem>>, vector<1x16xi32>,
          %get3A_174 = vector.shape_cast %get3A_173 : vector<1x16xi32> to vector<16xi32>
          %add3A_175 = arith.constant 7 : i32
          %add3A_176 = arith.addi %mul3A_133, %add3A_175 : i32
          %get3A_177 = arith.index_cast %add3A_176 : i32 to index
          %get3A_178 = arith.constant 0 : index
          %get3A_179 = tpu.vector_load %arg17[%get3A_177, %get3A_178] {strides = array<i32>} : memref<64x16xi32, #tpu.memory_space<vmem>>, vector<1x16xi32>,
          %get3A_180 = vector.shape_cast %get3A_179 : vector<1x16xi32> to vector<16xi32>
          %add3A_181 = arith.constant 8 : i32
          %add3A_182 = arith.addi %mul3A_133, %add3A_181 : i32
          %get3A_183 = arith.index_cast %add3A_182 : i32 to index
          %get3A_184 = arith.constant 0 : index
          %get3A_185 = tpu.vector_load %arg17[%get3A_183, %get3A_184] {strides = array<i32>} : memref<64x16xi32, #tpu.memory_space<vmem>>, vector<1x16xi32>,
          %get3A_186 = vector.shape_cast %get3A_185 : vector<1x16xi32> to vector<16xi32>
          %add3A_187 = arith.constant 9 : i32
          %add3A_188 = arith.addi %mul3A_133, %add3A_187 : i32
          %get3A_189 = arith.index_cast %add3A_188 : i32 to index
          %get3A_190 = arith.constant 0 : index
          %get3A_191 = tpu.vector_load %arg17[%get3A_189, %get3A_190] {strides = array<i32>} : memref<64x16xi32, #tpu.memory_space<vmem>>, vector<1x16xi32>,
          %get3A_192 = vector.shape_cast %get3A_191 : vector<1x16xi32> to vector<16xi32>
          %add3A_193 = arith.constant 10 : i32
          %add3A_194 = arith.addi %mul3A_133, %add3A_193 : i32
          %get3A_195 = arith.index_cast %add3A_194 : i32 to index
          %get3A_196 = arith.constant 0 : index
          %get3A_197 = tpu.vector_load %arg17[%get3A_195, %get3A_196] {strides = array<i32>} : memref<64x16xi32, #tpu.memory_space<vmem>>, vector<1x16xi32>,
          %get3A_198 = vector.shape_cast %get3A_197 : vector<1x16xi32> to vector<16xi32>
          %add3A_199 = arith.constant 11 : i32
          %add3A_200 = arith.addi %mul3A_133, %add3A_199 : i32
          %get3A_201 = arith.index_cast %add3A_200 : i32 to index
          %get3A_202 = arith.constant 0 : index
          %get3A_203 = tpu.vector_load %arg17[%get3A_201, %get3A_202] {strides = array<i32>} : memref<64x16xi32, #tpu.memory_space<vmem>>, vector<1x16xi32>,
          %get3A_204 = vector.shape_cast %get3A_203 : vector<1x16xi32> to vector<16xi32>
          %add3A_205 = arith.constant 12 : i32
          %add3A_206 = arith.addi %mul3A_133, %add3A_205 : i32
          %get3A_207 = arith.index_cast %add3A_206 : i32 to index
          %get3A_208 = arith.constant 0 : index
          %get3A_209 = tpu.vector_load %arg17[%get3A_207, %get3A_208] {strides = array<i32>} : memref<64x16xi32, #tpu.memory_space<vmem>>, vector<1x16xi32>,
          %get3A_210 = vector.shape_cast %get3A_209 : vector<1x16xi32> to vector<16xi32>
          %add3A_211 = arith.constant 13 : i32
          %add3A_212 = arith.addi %mul3A_133, %add3A_211 : i32
          %get3A_213 = arith.index_cast %add3A_212 : i32 to index
          %get3A_214 = arith.constant 0 : index
          %get3A_215 = tpu.vector_load %arg17[%get3A_213, %get3A_214] {strides = array<i32>} : memref<64x16xi32, #tpu.memory_space<vmem>>, vector<1x16xi32>,
          %get3A_216 = vector.shape_cast %get3A_215 : vector<1x16xi32> to vector<16xi32>
          %add3A_217 = arith.constant 14 : i32
          %add3A_218 = arith.addi %mul3A_133, %add3A_217 : i32
          %get3A_219 = arith.index_cast %add3A_218 : i32 to index
          %get3A_220 = arith.constant 0 : index
          %get3A_221 = tpu.vector_load %arg17[%get3A_219, %get3A_220] {strides = array<i32>} : memref<64x16xi32, #tpu.memory_space<vmem>>, vector<1x16xi32>,
          %get3A_222 = vector.shape_cast %get3A_221 : vector<1x16xi32> to vector<16xi32>
          %add3A_223 = arith.constant 15 : i32
          %add3A_224 = arith.addi %mul3A_133, %add3A_223 : i32
          %get3A_225 = arith.index_cast %add3A_224 : i32 to index
          %get3A_226 = arith.constant 0 : index
          %get3A_227 = tpu.vector_load %arg17[%get3A_225, %get3A_226] {strides = array<i32>} : memref<64x16xi32, #tpu.memory_space<vmem>>, vector<1x16xi32>,
          %get3A_228 = vector.shape_cast %get3A_227 : vector<1x16xi32> to vector<16xi32>
          %scan3A_229 = arith.constant 0 : i32
          %scan3A_230 = arith.constant 8 : i32
          %scan3A_231 = arith.addi %scan3A_229, %scan3A_230 : i32
          %scan3A_232 = arith.constant 1 : i32
          %scan3A_233:16 = scf.for %scan3A_346 = %scan3A_229 to %scan3A_231 step %scan3A_232 iter_args(%scan3A_347 = %get3A_138, %scan3A_348 = %get3A_144, %scan3A_349 = %get3A_150, %scan3A_350 = %get3A_156, %scan3A_351 = %get3A_162, %scan3A_352 = %get3A_168, %scan3A_353 = %get3A_174, %scan3A_354 = %get3A_180, %scan3A_355 = %get3A_186, %scan3A_356 = %get3A_192, %scan3A_357 = %get3A_198, %scan3A_358 = %get3A_204, %scan3A_359 = %get3A_210, %scan3A_360 = %get3A_216, %scan3A_361 = %get3A_222, %scan3A_362 = %get3A_228) -> (vector<16xi32>, vector<16xi32>, vector<16xi32>, vector<16xi32>, vector<16xi32>, vector<16xi32>, vector<16xi32>, vector<16xi32>, vector<16xi32>, vector<16xi32>, vector<16xi32>, vector<16xi32>, vector<16xi32>, vector<16xi32>, vector<16xi32>, vector<16xi32>)  : i32 {
            %mul3A_363 = arith.constant 16 : i32
            %mul3A_364 = arith.muli %scan3A_346, %mul3A_363 : i32
            %get3A_365 = arith.index_cast %mul3A_364 : i32 to index
            %get3A_366 = tpu.vector_load %arg10[%get3A_365] {strides = array<i32>} : memref<128xi32, #tpu.memory_space<vmem>>, vector<16xi32>,
            %get3A_367 = vector.shape_cast %get3A_366 : vector<16xi32> to vector<16xi32>
            %add3A_368 = arith.constant 0 : i32
            %add3A_369 = arith.addi %mul3A_133, %add3A_368 : i32
            %eq3A_370 = vector.broadcast %add3A_369 : i32 to vector<16xi32>
            %eq3A_371 = arith.cmpi eq, %get3A_367, %eq3A_370 : vector<16xi32>
            %jit3A = arith.constant 1 : i32
            %jit3A_372 = arith.constant 0 : i32
            %broadcast_in_dim3A_373 = vector.broadcast %jit3A : i32 to vector<16xi32>
            %broadcast_in_dim3A_374 = vector.broadcast %jit3A_372 : i32 to vector<16xi32>
            %select_n3A = arith.select %eq3A_371, %broadcast_in_dim3A_373, %broadcast_in_dim3A_374 : vector<16xi1>, vector<16xi32>
            %add3A_375 = arith.addi %scan3A_347, %select_n3A : vector<16xi32>
            %add3A_376 = arith.constant 1 : i32
            %add3A_377 = arith.addi %mul3A_133, %add3A_376 : i32
            %eq3A_378 = vector.broadcast %add3A_377 : i32 to vector<16xi32>
            %eq3A_379 = arith.cmpi eq, %get3A_367, %eq3A_378 : vector<16xi32>
            %jit3A_380 = arith.constant 1 : i32
            %jit3A_381 = arith.constant 0 : i32
            %broadcast_in_dim3A_382 = vector.broadcast %jit3A_380 : i32 to vector<16xi32>
            %broadcast_in_dim3A_383 = vector.broadcast %jit3A_381 : i32 to vector<16xi32>
            %select_n3A_384 = arith.select %eq3A_379, %broadcast_in_dim3A_382, %broadcast_in_dim3A_383 : vector<16xi1>, vector<16xi32>
            %add3A_385 = arith.addi %scan3A_348, %select_n3A_384 : vector<16xi32>
            %add3A_386 = arith.constant 2 : i32
            %add3A_387 = arith.addi %mul3A_133, %add3A_386 : i32
            %eq3A_388 = vector.broadcast %add3A_387 : i32 to vector<16xi32>
            %eq3A_389 = arith.cmpi eq, %get3A_367, %eq3A_388 : vector<16xi32>
            %jit3A_390 = arith.constant 1 : i32
            %jit3A_391 = arith.constant 0 : i32
            %broadcast_in_dim3A_392 = vector.broadcast %jit3A_390 : i32 to vector<16xi32>
            %broadcast_in_dim3A_393 = vector.broadcast %jit3A_391 : i32 to vector<16xi32>
            %select_n3A_394 = arith.select %eq3A_389, %broadcast_in_dim3A_392, %broadcast_in_dim3A_393 : vector<16xi1>, vector<16xi32>
            %add3A_395 = arith.addi %scan3A_349, %select_n3A_394 : vector<16xi32>
            %add3A_396 = arith.constant 3 : i32
            %add3A_397 = arith.addi %mul3A_133, %add3A_396 : i32
            %eq3A_398 = vector.broadcast %add3A_397 : i32 to vector<16xi32>
            %eq3A_399 = arith.cmpi eq, %get3A_367, %eq3A_398 : vector<16xi32>
            %jit3A_400 = arith.constant 1 : i32
            %jit3A_401 = arith.constant 0 : i32
            %broadcast_in_dim3A_402 = vector.broadcast %jit3A_400 : i32 to vector<16xi32>
            %broadcast_in_dim3A_403 = vector.broadcast %jit3A_401 : i32 to vector<16xi32>
            %select_n3A_404 = arith.select %eq3A_399, %broadcast_in_dim3A_402, %broadcast_in_dim3A_403 : vector<16xi1>, vector<16xi32>
            %add3A_405 = arith.addi %scan3A_350, %select_n3A_404 : vector<16xi32>
            %add3A_406 = arith.constant 4 : i32
            %add3A_407 = arith.addi %mul3A_133, %add3A_406 : i32
            %eq3A_408 = vector.broadcast %add3A_407 : i32 to vector<16xi32>
            %eq3A_409 = arith.cmpi eq, %get3A_367, %eq3A_408 : vector<16xi32>
            %jit3A_410 = arith.constant 1 : i32
            %jit3A_411 = arith.constant 0 : i32
            %broadcast_in_dim3A_412 = vector.broadcast %jit3A_410 : i32 to vector<16xi32>
            %broadcast_in_dim3A_413 = vector.broadcast %jit3A_411 : i32 to vector<16xi32>
            %select_n3A_414 = arith.select %eq3A_409, %broadcast_in_dim3A_412, %broadcast_in_dim3A_413 : vector<16xi1>, vector<16xi32>
            %add3A_415 = arith.addi %scan3A_351, %select_n3A_414 : vector<16xi32>
            %add3A_416 = arith.constant 5 : i32
            %add3A_417 = arith.addi %mul3A_133, %add3A_416 : i32
            %eq3A_418 = vector.broadcast %add3A_417 : i32 to vector<16xi32>
            %eq3A_419 = arith.cmpi eq, %get3A_367, %eq3A_418 : vector<16xi32>
            %jit3A_420 = arith.constant 1 : i32
            %jit3A_421 = arith.constant 0 : i32
            %broadcast_in_dim3A_422 = vector.broadcast %jit3A_420 : i32 to vector<16xi32>
            %broadcast_in_dim3A_423 = vector.broadcast %jit3A_421 : i32 to vector<16xi32>
            %select_n3A_424 = arith.select %eq3A_419, %broadcast_in_dim3A_422, %broadcast_in_dim3A_423 : vector<16xi1>, vector<16xi32>
            %add3A_425 = arith.addi %scan3A_352, %select_n3A_424 : vector<16xi32>
            %add3A_426 = arith.constant 6 : i32
            %add3A_427 = arith.addi %mul3A_133, %add3A_426 : i32
            %eq3A_428 = vector.broadcast %add3A_427 : i32 to vector<16xi32>
            %eq3A_429 = arith.cmpi eq, %get3A_367, %eq3A_428 : vector<16xi32>
            %jit3A_430 = arith.constant 1 : i32
            %jit3A_431 = arith.constant 0 : i32
            %broadcast_in_dim3A_432 = vector.broadcast %jit3A_430 : i32 to vector<16xi32>
            %broadcast_in_dim3A_433 = vector.broadcast %jit3A_431 : i32 to vector<16xi32>
            %select_n3A_434 = arith.select %eq3A_429, %broadcast_in_dim3A_432, %broadcast_in_dim3A_433 : vector<16xi1>, vector<16xi32>
            %add3A_435 = arith.addi %scan3A_353, %select_n3A_434 : vector<16xi32>
            %add3A_436 = arith.constant 7 : i32
            %add3A_437 = arith.addi %mul3A_133, %add3A_436 : i32
            %eq3A_438 = vector.broadcast %add3A_437 : i32 to vector<16xi32>
            %eq3A_439 = arith.cmpi eq, %get3A_367, %eq3A_438 : vector<16xi32>
            %jit3A_440 = arith.constant 1 : i32
            %jit3A_441 = arith.constant 0 : i32
            %broadcast_in_dim3A_442 = vector.broadcast %jit3A_440 : i32 to vector<16xi32>
            %broadcast_in_dim3A_443 = vector.broadcast %jit3A_441 : i32 to vector<16xi32>
            %select_n3A_444 = arith.select %eq3A_439, %broadcast_in_dim3A_442, %broadcast_in_dim3A_443 : vector<16xi1>, vector<16xi32>
            %add3A_445 = arith.addi %scan3A_354, %select_n3A_444 : vector<16xi32>
            %add3A_446 = arith.constant 8 : i32
            %add3A_447 = arith.addi %mul3A_133, %add3A_446 : i32
            %eq3A_448 = vector.broadcast %add3A_447 : i32 to vector<16xi32>
            %eq3A_449 = arith.cmpi eq, %get3A_367, %eq3A_448 : vector<16xi32>
            %jit3A_450 = arith.constant 1 : i32
            %jit3A_451 = arith.constant 0 : i32
            %broadcast_in_dim3A_452 = vector.broadcast %jit3A_450 : i32 to vector<16xi32>
            %broadcast_in_dim3A_453 = vector.broadcast %jit3A_451 : i32 to vector<16xi32>
            %select_n3A_454 = arith.select %eq3A_449, %broadcast_in_dim3A_452, %broadcast_in_dim3A_453 : vector<16xi1>, vector<16xi32>
            %add3A_455 = arith.addi %scan3A_355, %select_n3A_454 : vector<16xi32>
            %add3A_456 = arith.constant 9 : i32
            %add3A_457 = arith.addi %mul3A_133, %add3A_456 : i32
            %eq3A_458 = vector.broadcast %add3A_457 : i32 to vector<16xi32>
            %eq3A_459 = arith.cmpi eq, %get3A_367, %eq3A_458 : vector<16xi32>
            %jit3A_460 = arith.constant 1 : i32
            %jit3A_461 = arith.constant 0 : i32
            %broadcast_in_dim3A_462 = vector.broadcast %jit3A_460 : i32 to vector<16xi32>
            %broadcast_in_dim3A_463 = vector.broadcast %jit3A_461 : i32 to vector<16xi32>
            %select_n3A_464 = arith.select %eq3A_459, %broadcast_in_dim3A_462, %broadcast_in_dim3A_463 : vector<16xi1>, vector<16xi32>
            %add3A_465 = arith.addi %scan3A_356, %select_n3A_464 : vector<16xi32>
            %add3A_466 = arith.constant 10 : i32
            %add3A_467 = arith.addi %mul3A_133, %add3A_466 : i32
            %eq3A_468 = vector.broadcast %add3A_467 : i32 to vector<16xi32>
            %eq3A_469 = arith.cmpi eq, %get3A_367, %eq3A_468 : vector<16xi32>
            %jit3A_470 = arith.constant 1 : i32
            %jit3A_471 = arith.constant 0 : i32
            %broadcast_in_dim3A_472 = vector.broadcast %jit3A_470 : i32 to vector<16xi32>
            %broadcast_in_dim3A_473 = vector.broadcast %jit3A_471 : i32 to vector<16xi32>
            %select_n3A_474 = arith.select %eq3A_469, %broadcast_in_dim3A_472, %broadcast_in_dim3A_473 : vector<16xi1>, vector<16xi32>
            %add3A_475 = arith.addi %scan3A_357, %select_n3A_474 : vector<16xi32>
            %add3A_476 = arith.constant 11 : i32
            %add3A_477 = arith.addi %mul3A_133, %add3A_476 : i32
            %eq3A_478 = vector.broadcast %add3A_477 : i32 to vector<16xi32>
            %eq3A_479 = arith.cmpi eq, %get3A_367, %eq3A_478 : vector<16xi32>
            %jit3A_480 = arith.constant 1 : i32
            %jit3A_481 = arith.constant 0 : i32
            %broadcast_in_dim3A_482 = vector.broadcast %jit3A_480 : i32 to vector<16xi32>
            %broadcast_in_dim3A_483 = vector.broadcast %jit3A_481 : i32 to vector<16xi32>
            %select_n3A_484 = arith.select %eq3A_479, %broadcast_in_dim3A_482, %broadcast_in_dim3A_483 : vector<16xi1>, vector<16xi32>
            %add3A_485 = arith.addi %scan3A_358, %select_n3A_484 : vector<16xi32>
            %add3A_486 = arith.constant 12 : i32
            %add3A_487 = arith.addi %mul3A_133, %add3A_486 : i32
            %eq3A_488 = vector.broadcast %add3A_487 : i32 to vector<16xi32>
            %eq3A_489 = arith.cmpi eq, %get3A_367, %eq3A_488 : vector<16xi32>
            %jit3A_490 = arith.constant 1 : i32
            %jit3A_491 = arith.constant 0 : i32
            %broadcast_in_dim3A_492 = vector.broadcast %jit3A_490 : i32 to vector<16xi32>
            %broadcast_in_dim3A_493 = vector.broadcast %jit3A_491 : i32 to vector<16xi32>
            %select_n3A_494 = arith.select %eq3A_489, %broadcast_in_dim3A_492, %broadcast_in_dim3A_493 : vector<16xi1>, vector<16xi32>
            %add3A_495 = arith.addi %scan3A_359, %select_n3A_494 : vector<16xi32>
            %add3A_496 = arith.constant 13 : i32
            %add3A_497 = arith.addi %mul3A_133, %add3A_496 : i32
            %eq3A_498 = vector.broadcast %add3A_497 : i32 to vector<16xi32>
            %eq3A_499 = arith.cmpi eq, %get3A_367, %eq3A_498 : vector<16xi32>
            %jit3A_500 = arith.constant 1 : i32
            %jit3A_501 = arith.constant 0 : i32
            %broadcast_in_dim3A_502 = vector.broadcast %jit3A_500 : i32 to vector<16xi32>
            %broadcast_in_dim3A_503 = vector.broadcast %jit3A_501 : i32 to vector<16xi32>
            %select_n3A_504 = arith.select %eq3A_499, %broadcast_in_dim3A_502, %broadcast_in_dim3A_503 : vector<16xi1>, vector<16xi32>
            %add3A_505 = arith.addi %scan3A_360, %select_n3A_504 : vector<16xi32>
            %add3A_506 = arith.constant 14 : i32
            %add3A_507 = arith.addi %mul3A_133, %add3A_506 : i32
            %eq3A_508 = vector.broadcast %add3A_507 : i32 to vector<16xi32>
            %eq3A_509 = arith.cmpi eq, %get3A_367, %eq3A_508 : vector<16xi32>
            %jit3A_510 = arith.constant 1 : i32
            %jit3A_511 = arith.constant 0 : i32
            %broadcast_in_dim3A_512 = vector.broadcast %jit3A_510 : i32 to vector<16xi32>
            %broadcast_in_dim3A_513 = vector.broadcast %jit3A_511 : i32 to vector<16xi32>
            %select_n3A_514 = arith.select %eq3A_509, %broadcast_in_dim3A_512, %broadcast_in_dim3A_513 : vector<16xi1>, vector<16xi32>
            %add3A_515 = arith.addi %scan3A_361, %select_n3A_514 : vector<16xi32>
            %add3A_516 = arith.constant 15 : i32
            %add3A_517 = arith.addi %mul3A_133, %add3A_516 : i32
            %eq3A_518 = vector.broadcast %add3A_517 : i32 to vector<16xi32>
            %eq3A_519 = arith.cmpi eq, %get3A_367, %eq3A_518 : vector<16xi32>
            %jit3A_520 = arith.constant 1 : i32
            %jit3A_521 = arith.constant 0 : i32
            %broadcast_in_dim3A_522 = vector.broadcast %jit3A_520 : i32 to vector<16xi32>
            %broadcast_in_dim3A_523 = vector.broadcast %jit3A_521 : i32 to vector<16xi32>
            %select_n3A_524 = arith.select %eq3A_519, %broadcast_in_dim3A_522, %broadcast_in_dim3A_523 : vector<16xi1>, vector<16xi32>
            %add3A_525 = arith.addi %scan3A_362, %select_n3A_524 : vector<16xi32>
            scf.yield %add3A_375, %add3A_385, %add3A_395, %add3A_405, %add3A_415, %add3A_425, %add3A_435, %add3A_445, %add3A_455, %add3A_465, %add3A_475, %add3A_485, %add3A_495, %add3A_505, %add3A_515, %add3A_525 : vector<16xi32>, vector<16xi32>, vector<16xi32>, vector<16xi32>, vector<16xi32>, vector<16xi32>, vector<16xi32>, vector<16xi32>, vector<16xi32>, vector<16xi32>, vector<16xi32>, vector<16xi32>, vector<16xi32>, vector<16xi32>, vector<16xi32>, vector<16xi32>
          }
          %scan3A_234 = arith.constant 8 : i32
          %add3A_235 = arith.constant 0 : i32
          %add3A_236 = arith.addi %mul3A_133, %add3A_235 : i32
          %swap3A = arith.index_cast %add3A_236 : i32 to index
          %swap3A_237 = arith.constant 0 : index
          %swap3A_238 = tpu.vector_load %arg17[%swap3A, %swap3A_237] {strides = array<i32>} : memref<64x16xi32, #tpu.memory_space<vmem>>, vector<1x16xi32>,
          %swap3A_239 = vector.shape_cast %swap3A_238 : vector<1x16xi32> to vector<16xi32>
          %swap3A_240 = vector.shape_cast %scan3A_233#0 : vector<16xi32> to vector<1x16xi32>
          tpu.vector_store %arg17[%swap3A, %swap3A_237], %swap3A_240 {strides = array<i32>} : memref<64x16xi32, #tpu.memory_space<vmem>>, vector<1x16xi32>,
          %add3A_241 = arith.constant 1 : i32
          %add3A_242 = arith.addi %mul3A_133, %add3A_241 : i32
          %swap3A_243 = arith.index_cast %add3A_242 : i32 to index
          %swap3A_244 = arith.constant 0 : index
          %swap3A_245 = tpu.vector_load %arg17[%swap3A_243, %swap3A_244] {strides = array<i32>} : memref<64x16xi32, #tpu.memory_space<vmem>>, vector<1x16xi32>,
          %swap3A_246 = vector.shape_cast %swap3A_245 : vector<1x16xi32> to vector<16xi32>
          %swap3A_247 = vector.shape_cast %scan3A_233#1 : vector<16xi32> to vector<1x16xi32>
          tpu.vector_store %arg17[%swap3A_243, %swap3A_244], %swap3A_247 {strides = array<i32>} : memref<64x16xi32, #tpu.memory_space<vmem>>, vector<1x16xi32>,
          %add3A_248 = arith.constant 2 : i32
          %add3A_249 = arith.addi %mul3A_133, %add3A_248 : i32
          %swap3A_250 = arith.index_cast %add3A_249 : i32 to index
          %swap3A_251 = arith.constant 0 : index
          %swap3A_252 = tpu.vector_load %arg17[%swap3A_250, %swap3A_251] {strides = array<i32>} : memref<64x16xi32, #tpu.memory_space<vmem>>, vector<1x16xi32>,
          %swap3A_253 = vector.shape_cast %swap3A_252 : vector<1x16xi32> to vector<16xi32>
          %swap3A_254 = vector.shape_cast %scan3A_233#2 : vector<16xi32> to vector<1x16xi32>
          tpu.vector_store %arg17[%swap3A_250, %swap3A_251], %swap3A_254 {strides = array<i32>} : memref<64x16xi32, #tpu.memory_space<vmem>>, vector<1x16xi32>,
          %add3A_255 = arith.constant 3 : i32
          %add3A_256 = arith.addi %mul3A_133, %add3A_255 : i32
          %swap3A_257 = arith.index_cast %add3A_256 : i32 to index
          %swap3A_258 = arith.constant 0 : index
          %swap3A_259 = tpu.vector_load %arg17[%swap3A_257, %swap3A_258] {strides = array<i32>} : memref<64x16xi32, #tpu.memory_space<vmem>>, vector<1x16xi32>,
          %swap3A_260 = vector.shape_cast %swap3A_259 : vector<1x16xi32> to vector<16xi32>
          %swap3A_261 = vector.shape_cast %scan3A_233#3 : vector<16xi32> to vector<1x16xi32>
          tpu.vector_store %arg17[%swap3A_257, %swap3A_258], %swap3A_261 {strides = array<i32>} : memref<64x16xi32, #tpu.memory_space<vmem>>, vector<1x16xi32>,
          %add3A_262 = arith.constant 4 : i32
          %add3A_263 = arith.addi %mul3A_133, %add3A_262 : i32
          %swap3A_264 = arith.index_cast %add3A_263 : i32 to index
          %swap3A_265 = arith.constant 0 : index
          %swap3A_266 = tpu.vector_load %arg17[%swap3A_264, %swap3A_265] {strides = array<i32>} : memref<64x16xi32, #tpu.memory_space<vmem>>, vector<1x16xi32>,
          %swap3A_267 = vector.shape_cast %swap3A_266 : vector<1x16xi32> to vector<16xi32>
          %swap3A_268 = vector.shape_cast %scan3A_233#4 : vector<16xi32> to vector<1x16xi32>
          tpu.vector_store %arg17[%swap3A_264, %swap3A_265], %swap3A_268 {strides = array<i32>} : memref<64x16xi32, #tpu.memory_space<vmem>>, vector<1x16xi32>,
          %add3A_269 = arith.constant 5 : i32
          %add3A_270 = arith.addi %mul3A_133, %add3A_269 : i32
          %swap3A_271 = arith.index_cast %add3A_270 : i32 to index
          %swap3A_272 = arith.constant 0 : index
          %swap3A_273 = tpu.vector_load %arg17[%swap3A_271, %swap3A_272] {strides = array<i32>} : memref<64x16xi32, #tpu.memory_space<vmem>>, vector<1x16xi32>,
          %swap3A_274 = vector.shape_cast %swap3A_273 : vector<1x16xi32> to vector<16xi32>
          %swap3A_275 = vector.shape_cast %scan3A_233#5 : vector<16xi32> to vector<1x16xi32>
          tpu.vector_store %arg17[%swap3A_271, %swap3A_272], %swap3A_275 {strides = array<i32>} : memref<64x16xi32, #tpu.memory_space<vmem>>, vector<1x16xi32>,
          %add3A_276 = arith.constant 6 : i32
          %add3A_277 = arith.addi %mul3A_133, %add3A_276 : i32
          %swap3A_278 = arith.index_cast %add3A_277 : i32 to index
          %swap3A_279 = arith.constant 0 : index
          %swap3A_280 = tpu.vector_load %arg17[%swap3A_278, %swap3A_279] {strides = array<i32>} : memref<64x16xi32, #tpu.memory_space<vmem>>, vector<1x16xi32>,
          %swap3A_281 = vector.shape_cast %swap3A_280 : vector<1x16xi32> to vector<16xi32>
          %swap3A_282 = vector.shape_cast %scan3A_233#6 : vector<16xi32> to vector<1x16xi32>
          tpu.vector_store %arg17[%swap3A_278, %swap3A_279], %swap3A_282 {strides = array<i32>} : memref<64x16xi32, #tpu.memory_space<vmem>>, vector<1x16xi32>,
          %add3A_283 = arith.constant 7 : i32
          %add3A_284 = arith.addi %mul3A_133, %add3A_283 : i32
          %swap3A_285 = arith.index_cast %add3A_284 : i32 to index
          %swap3A_286 = arith.constant 0 : index
          %swap3A_287 = tpu.vector_load %arg17[%swap3A_285, %swap3A_286] {strides = array<i32>} : memref<64x16xi32, #tpu.memory_space<vmem>>, vector<1x16xi32>,
          %swap3A_288 = vector.shape_cast %swap3A_287 : vector<1x16xi32> to vector<16xi32>
          %swap3A_289 = vector.shape_cast %scan3A_233#7 : vector<16xi32> to vector<1x16xi32>
          tpu.vector_store %arg17[%swap3A_285, %swap3A_286], %swap3A_289 {strides = array<i32>} : memref<64x16xi32, #tpu.memory_space<vmem>>, vector<1x16xi32>,
          %add3A_290 = arith.constant 8 : i32
          %add3A_291 = arith.addi %mul3A_133, %add3A_290 : i32
          %swap3A_292 = arith.index_cast %add3A_291 : i32 to index
          %swap3A_293 = arith.constant 0 : index
          %swap3A_294 = tpu.vector_load %arg17[%swap3A_292, %swap3A_293] {strides = array<i32>} : memref<64x16xi32, #tpu.memory_space<vmem>>, vector<1x16xi32>,
          %swap3A_295 = vector.shape_cast %swap3A_294 : vector<1x16xi32> to vector<16xi32>
          %swap3A_296 = vector.shape_cast %scan3A_233#8 : vector<16xi32> to vector<1x16xi32>
          tpu.vector_store %arg17[%swap3A_292, %swap3A_293], %swap3A_296 {strides = array<i32>} : memref<64x16xi32, #tpu.memory_space<vmem>>, vector<1x16xi32>,
          %add3A_297 = arith.constant 9 : i32
          %add3A_298 = arith.addi %mul3A_133, %add3A_297 : i32
          %swap3A_299 = arith.index_cast %add3A_298 : i32 to index
          %swap3A_300 = arith.constant 0 : index
          %swap3A_301 = tpu.vector_load %arg17[%swap3A_299, %swap3A_300] {strides = array<i32>} : memref<64x16xi32, #tpu.memory_space<vmem>>, vector<1x16xi32>,
          %swap3A_302 = vector.shape_cast %swap3A_301 : vector<1x16xi32> to vector<16xi32>
          %swap3A_303 = vector.shape_cast %scan3A_233#9 : vector<16xi32> to vector<1x16xi32>
          tpu.vector_store %arg17[%swap3A_299, %swap3A_300], %swap3A_303 {strides = array<i32>} : memref<64x16xi32, #tpu.memory_space<vmem>>, vector<1x16xi32>,
          %add3A_304 = arith.constant 10 : i32
          %add3A_305 = arith.addi %mul3A_133, %add3A_304 : i32
          %swap3A_306 = arith.index_cast %add3A_305 : i32 to index
          %swap3A_307 = arith.constant 0 : index
          %swap3A_308 = tpu.vector_load %arg17[%swap3A_306, %swap3A_307] {strides = array<i32>} : memref<64x16xi32, #tpu.memory_space<vmem>>, vector<1x16xi32>,
          %swap3A_309 = vector.shape_cast %swap3A_308 : vector<1x16xi32> to vector<16xi32>
          %swap3A_310 = vector.shape_cast %scan3A_233#10 : vector<16xi32> to vector<1x16xi32>
          tpu.vector_store %arg17[%swap3A_306, %swap3A_307], %swap3A_310 {strides = array<i32>} : memref<64x16xi32, #tpu.memory_space<vmem>>, vector<1x16xi32>,
          %add3A_311 = arith.constant 11 : i32
          %add3A_312 = arith.addi %mul3A_133, %add3A_311 : i32
          %swap3A_313 = arith.index_cast %add3A_312 : i32 to index
          %swap3A_314 = arith.constant 0 : index
          %swap3A_315 = tpu.vector_load %arg17[%swap3A_313, %swap3A_314] {strides = array<i32>} : memref<64x16xi32, #tpu.memory_space<vmem>>, vector<1x16xi32>,
          %swap3A_316 = vector.shape_cast %swap3A_315 : vector<1x16xi32> to vector<16xi32>
          %swap3A_317 = vector.shape_cast %scan3A_233#11 : vector<16xi32> to vector<1x16xi32>
          tpu.vector_store %arg17[%swap3A_313, %swap3A_314], %swap3A_317 {strides = array<i32>} : memref<64x16xi32, #tpu.memory_space<vmem>>, vector<1x16xi32>,
          %add3A_318 = arith.constant 12 : i32
          %add3A_319 = arith.addi %mul3A_133, %add3A_318 : i32
          %swap3A_320 = arith.index_cast %add3A_319 : i32 to index
          %swap3A_321 = arith.constant 0 : index
          %swap3A_322 = tpu.vector_load %arg17[%swap3A_320, %swap3A_321] {strides = array<i32>} : memref<64x16xi32, #tpu.memory_space<vmem>>, vector<1x16xi32>,
          %swap3A_323 = vector.shape_cast %swap3A_322 : vector<1x16xi32> to vector<16xi32>
          %swap3A_324 = vector.shape_cast %scan3A_233#12 : vector<16xi32> to vector<1x16xi32>
          tpu.vector_store %arg17[%swap3A_320, %swap3A_321], %swap3A_324 {strides = array<i32>} : memref<64x16xi32, #tpu.memory_space<vmem>>, vector<1x16xi32>,
          %add3A_325 = arith.constant 13 : i32
          %add3A_326 = arith.addi %mul3A_133, %add3A_325 : i32
          %swap3A_327 = arith.index_cast %add3A_326 : i32 to index
          %swap3A_328 = arith.constant 0 : index
          %swap3A_329 = tpu.vector_load %arg17[%swap3A_327, %swap3A_328] {strides = array<i32>} : memref<64x16xi32, #tpu.memory_space<vmem>>, vector<1x16xi32>,
          %swap3A_330 = vector.shape_cast %swap3A_329 : vector<1x16xi32> to vector<16xi32>
          %swap3A_331 = vector.shape_cast %scan3A_233#13 : vector<16xi32> to vector<1x16xi32>
          tpu.vector_store %arg17[%swap3A_327, %swap3A_328], %swap3A_331 {strides = array<i32>} : memref<64x16xi32, #tpu.memory_space<vmem>>, vector<1x16xi32>,
          %add3A_332 = arith.constant 14 : i32
          %add3A_333 = arith.addi %mul3A_133, %add3A_332 : i32
          %swap3A_334 = arith.index_cast %add3A_333 : i32 to index
          %swap3A_335 = arith.constant 0 : index
          %swap3A_336 = tpu.vector_load %arg17[%swap3A_334, %swap3A_335] {strides = array<i32>} : memref<64x16xi32, #tpu.memory_space<vmem>>, vector<1x16xi32>,
          %swap3A_337 = vector.shape_cast %swap3A_336 : vector<1x16xi32> to vector<16xi32>
          %swap3A_338 = vector.shape_cast %scan3A_233#14 : vector<16xi32> to vector<1x16xi32>
          tpu.vector_store %arg17[%swap3A_334, %swap3A_335], %swap3A_338 {strides = array<i32>} : memref<64x16xi32, #tpu.memory_space<vmem>>, vector<1x16xi32>,
          %add3A_339 = arith.constant 15 : i32
          %add3A_340 = arith.addi %mul3A_133, %add3A_339 : i32
          %swap3A_341 = arith.index_cast %add3A_340 : i32 to index
          %swap3A_342 = arith.constant 0 : index
          %swap3A_343 = tpu.vector_load %arg17[%swap3A_341, %swap3A_342] {strides = array<i32>} : memref<64x16xi32, #tpu.memory_space<vmem>>, vector<1x16xi32>,
          %swap3A_344 = vector.shape_cast %swap3A_343 : vector<1x16xi32> to vector<16xi32>
          %swap3A_345 = vector.shape_cast %scan3A_233#15 : vector<16xi32> to vector<1x16xi32>
          tpu.vector_store %arg17[%swap3A_341, %swap3A_342], %swap3A_345 {strides = array<i32>} : memref<64x16xi32, #tpu.memory_space<vmem>>, vector<1x16xi32>,
        }
        %scan3A_127 = arith.constant 4 : i32
        %dma_wait3A_128 = arith.constant 0 : i32
        %dma_wait3A_129 = arith.constant 0 : i32
        %dma_wait3A_130 = tpu.memref_slice %arg18[%dma_wait3A_128, %dma_wait3A_129] : memref<64x128xf32, #tpu.memory_space<vmem_shared>> -> memref<64x128xf32, #tpu.memory_space<vmem_shared>>
        tpu.wait_indirect_dma semaphore(%arg16 : memref<!tpu.dma_semaphore, #tpu.memory_space<semaphore_mem>>) src(%arg7 : memref<128x128xf32, #tpu.memory_space<vmem>>) dst(%dma_wait3A_130 : memref<64x128xf32, #tpu.memory_space<vmem_shared>>)
      } else {
      }
      %add3A_60 = arith.constant 96 : i32
      %add3A_61 = arith.addi %add3A_54, %add3A_60 : i32
      %lt3A_62 = arith.constant 2500 : i32
      %lt3A_63 = arith.cmpi slt, %add3A_61, %lt3A_62 : i32
      %convert_element_type3A_64 = arith.extui %lt3A_63 : i1 to i32
      %cond3A_65 = arith.constant 0 : i32
      %cond3A_66 = arith.cmpi ne, %convert_element_type3A_64, %cond3A_65 : i32
      scf.if %cond3A_66 {
        %mul3A_109 = arith.constant 128 : i32
        %mul3A_110 = arith.muli %add3A_61, %mul3A_109 : i32
        %dma_start3A = arith.constant 0 : i32
        %dma_start3A_111 = tpu.memref_slice %arg2[%mul3A_110, %dma_start3A] : memref<320000x128xf32, #tpu.memory_space<hbm>> -> memref<128x128xf32, #tpu.memory_space<hbm>>
        %dma_start3A_112 = arith.constant 0 : i32
        %dma_start3A_113 = tpu.memref_slice %arg2[%mul3A_110, %dma_start3A_112] : memref<320000x128xf32, #tpu.memory_space<hbm>> -> memref<128x128xf32, #tpu.memory_space<hbm>>
        tpu.enqueue_dma source(%dma_start3A_113 : memref<128x128xf32, #tpu.memory_space<hbm>>) target(%arg7 : memref<128x128xf32, #tpu.memory_space<vmem>>) target_semaphore(%arg13 : memref<!tpu.dma_semaphore, #tpu.memory_space<semaphore_mem>>)
        %dma_start3A_114 = arith.constant 0 : i32
        %dma_start3A_115 = tpu.memref_slice %arg3[%add3A_61, %dma_start3A_114] : memref<2500x128xi32, #tpu.memory_space<hbm>> -> memref<1x128xi32, #tpu.memory_space<hbm>>
        %dma_start3A_116 = tpu.memref_squeeze %dma_start3A_115 : memref<1x128xi32, #tpu.memory_space<hbm>> -> memref<128xi32, #tpu.memory_space<hbm>>
        %dma_start3A_117 = arith.constant 0 : i32
        %dma_start3A_118 = tpu.memref_slice %arg3[%add3A_61, %dma_start3A_117] : memref<2500x128xi32, #tpu.memory_space<hbm>> -> memref<1x128xi32, #tpu.memory_space<hbm>>
        %dma_start3A_119 = tpu.memref_squeeze %dma_start3A_118 : memref<1x128xi32, #tpu.memory_space<hbm>> -> memref<128xi32, #tpu.memory_space<hbm>>
        tpu.enqueue_dma source(%dma_start3A_119 : memref<128xi32, #tpu.memory_space<hbm>>) target(%arg10 : memref<128xi32, #tpu.memory_space<vmem>>) target_semaphore(%arg13 : memref<!tpu.dma_semaphore, #tpu.memory_space<semaphore_mem>>)
      } else {
      }
      %add3A_67 = arith.constant 816 : i32
      %add3A_68 = arith.addi %add3A_67, %add3A : i32
      %mul3A_69 = arith.constant 3 : i32
      %mul3A_70 = arith.muli %mul3A_69, %scan3A_45 : i32
      %add3A_71 = arith.constant 1 : i32
      %add3A_72 = arith.addi %mul3A_70, %add3A_71 : i32
      %mul3A_73 = arith.constant 32 : i32
      %mul3A_74 = arith.muli %add3A_72, %mul3A_73 : i32
      %add3A_75 = arith.addi %add3A_68, %mul3A_74 : i32
      %lt3A_76 = arith.constant 2500 : i32
      %lt3A_77 = arith.cmpi slt, %add3A_75, %lt3A_76 : i32
      %convert_element_type3A_78 = arith.extui %lt3A_77 : i1 to i32
      %cond3A_79 = arith.constant 0 : i32
      %cond3A_80 = arith.cmpi ne, %convert_element_type3A_78, %cond3A_79 : i32
      scf.if %cond3A_80 {
        %mul3A_109 = arith.constant 128 : i32
        %mul3A_110 = arith.muli %add3A_75, %mul3A_109 : i32
        %dma_wait3A = arith.constant 0 : i32
        %dma_wait3A_111 = tpu.memref_slice %arg2[%mul3A_110, %dma_wait3A] : memref<320000x128xf32, #tpu.memory_space<hbm>> -> memref<128x128xf32, #tpu.memory_space<hbm>>
        %dma_wait3A_112 = arith.constant 0 : i32
        %dma_wait3A_113 = tpu.memref_slice %arg2[%mul3A_110, %dma_wait3A_112] : memref<320000x128xf32, #tpu.memory_space<hbm>> -> memref<128x128xf32, #tpu.memory_space<hbm>>
        tpu.wait_dma2 semaphore(%arg14 : memref<!tpu.dma_semaphore, #tpu.memory_space<semaphore_mem>>) src(%dma_wait3A_113 : memref<128x128xf32, #tpu.memory_space<hbm>>) dst(%arg8 : memref<128x128xf32, #tpu.memory_space<vmem>>)
        %dma_wait3A_114 = arith.constant 0 : i32
        %dma_wait3A_115 = tpu.memref_slice %arg3[%add3A_75, %dma_wait3A_114] : memref<2500x128xi32, #tpu.memory_space<hbm>> -> memref<1x128xi32, #tpu.memory_space<hbm>>
        %dma_wait3A_116 = tpu.memref_squeeze %dma_wait3A_115 : memref<1x128xi32, #tpu.memory_space<hbm>> -> memref<128xi32, #tpu.memory_space<hbm>>
        %dma_wait3A_117 = arith.constant 0 : i32
        %dma_wait3A_118 = tpu.memref_slice %arg3[%add3A_75, %dma_wait3A_117] : memref<2500x128xi32, #tpu.memory_space<hbm>> -> memref<1x128xi32, #tpu.memory_space<hbm>>
        %dma_wait3A_119 = tpu.memref_squeeze %dma_wait3A_118 : memref<1x128xi32, #tpu.memory_space<hbm>> -> memref<128xi32, #tpu.memory_space<hbm>>
        tpu.wait_dma2 semaphore(%arg14 : memref<!tpu.dma_semaphore, #tpu.memory_space<semaphore_mem>>) src(%dma_wait3A_119 : memref<128xi32, #tpu.memory_space<hbm>>) dst(%arg11 : memref<128xi32, #tpu.memory_space<vmem>>)
        %dma_start3A = arith.constant 0 : i32
        %dma_start3A_120 = arith.constant 0 : i32
        %dma_start3A_121 = tpu.memref_slice %arg18[%dma_start3A, %dma_start3A_120] : memref<64x128xf32, #tpu.memory_space<vmem_shared>> -> memref<64x128xf32, #tpu.memory_space<vmem_shared>>
        tpu.enqueue_indirect_dma source(%arg8 : memref<128x128xf32, #tpu.memory_space<vmem>>) target(%dma_start3A_121 : memref<64x128xf32, #tpu.memory_space<vmem_shared>>) offsets(%arg11 : memref<128xi32, #tpu.memory_space<vmem>>) semaphore(%arg16 : memref<!tpu.dma_semaphore, #tpu.memory_space<semaphore_mem>>) {add = true}
        %scan3A_122 = arith.constant 0 : i32
        %scan3A_123 = arith.constant 0 : i32
        %scan3A_124 = arith.constant 4 : i32
        %scan3A_125 = arith.addi %scan3A_123, %scan3A_124 : i32
        %scan3A_126 = arith.constant 1 : i32
        scf.for %scan3A_131 = %scan3A_123 to %scan3A_125 step %scan3A_126  : i32 {
          %mul3A_132 = arith.constant 16 : i32
          %mul3A_133 = arith.muli %scan3A_131, %mul3A_132 : i32
          %add3A_134 = arith.constant 0 : i32
          %add3A_135 = arith.addi %mul3A_133, %add3A_134 : i32
          %get3A = arith.index_cast %add3A_135 : i32 to index
          %get3A_136 = arith.constant 0 : index
          %get3A_137 = tpu.vector_load %arg17[%get3A, %get3A_136] {strides = array<i32>} : memref<64x16xi32, #tpu.memory_space<vmem>>, vector<1x16xi32>,
          %get3A_138 = vector.shape_cast %get3A_137 : vector<1x16xi32> to vector<16xi32>
          %add3A_139 = arith.constant 1 : i32
          %add3A_140 = arith.addi %mul3A_133, %add3A_139 : i32
          %get3A_141 = arith.index_cast %add3A_140 : i32 to index
          %get3A_142 = arith.constant 0 : index
          %get3A_143 = tpu.vector_load %arg17[%get3A_141, %get3A_142] {strides = array<i32>} : memref<64x16xi32, #tpu.memory_space<vmem>>, vector<1x16xi32>,
          %get3A_144 = vector.shape_cast %get3A_143 : vector<1x16xi32> to vector<16xi32>
          %add3A_145 = arith.constant 2 : i32
          %add3A_146 = arith.addi %mul3A_133, %add3A_145 : i32
          %get3A_147 = arith.index_cast %add3A_146 : i32 to index
          %get3A_148 = arith.constant 0 : index
          %get3A_149 = tpu.vector_load %arg17[%get3A_147, %get3A_148] {strides = array<i32>} : memref<64x16xi32, #tpu.memory_space<vmem>>, vector<1x16xi32>,
          %get3A_150 = vector.shape_cast %get3A_149 : vector<1x16xi32> to vector<16xi32>
          %add3A_151 = arith.constant 3 : i32
          %add3A_152 = arith.addi %mul3A_133, %add3A_151 : i32
          %get3A_153 = arith.index_cast %add3A_152 : i32 to index
          %get3A_154 = arith.constant 0 : index
          %get3A_155 = tpu.vector_load %arg17[%get3A_153, %get3A_154] {strides = array<i32>} : memref<64x16xi32, #tpu.memory_space<vmem>>, vector<1x16xi32>,
          %get3A_156 = vector.shape_cast %get3A_155 : vector<1x16xi32> to vector<16xi32>
          %add3A_157 = arith.constant 4 : i32
          %add3A_158 = arith.addi %mul3A_133, %add3A_157 : i32
          %get3A_159 = arith.index_cast %add3A_158 : i32 to index
          %get3A_160 = arith.constant 0 : index
          %get3A_161 = tpu.vector_load %arg17[%get3A_159, %get3A_160] {strides = array<i32>} : memref<64x16xi32, #tpu.memory_space<vmem>>, vector<1x16xi32>,
          %get3A_162 = vector.shape_cast %get3A_161 : vector<1x16xi32> to vector<16xi32>
          %add3A_163 = arith.constant 5 : i32
          %add3A_164 = arith.addi %mul3A_133, %add3A_163 : i32
          %get3A_165 = arith.index_cast %add3A_164 : i32 to index
          %get3A_166 = arith.constant 0 : index
          %get3A_167 = tpu.vector_load %arg17[%get3A_165, %get3A_166] {strides = array<i32>} : memref<64x16xi32, #tpu.memory_space<vmem>>, vector<1x16xi32>,
          %get3A_168 = vector.shape_cast %get3A_167 : vector<1x16xi32> to vector<16xi32>
          %add3A_169 = arith.constant 6 : i32
          %add3A_170 = arith.addi %mul3A_133, %add3A_169 : i32
          %get3A_171 = arith.index_cast %add3A_170 : i32 to index
          %get3A_172 = arith.constant 0 : index
          %get3A_173 = tpu.vector_load %arg17[%get3A_171, %get3A_172] {strides = array<i32>} : memref<64x16xi32, #tpu.memory_space<vmem>>, vector<1x16xi32>,
          %get3A_174 = vector.shape_cast %get3A_173 : vector<1x16xi32> to vector<16xi32>
          %add3A_175 = arith.constant 7 : i32
          %add3A_176 = arith.addi %mul3A_133, %add3A_175 : i32
          %get3A_177 = arith.index_cast %add3A_176 : i32 to index
          %get3A_178 = arith.constant 0 : index
          %get3A_179 = tpu.vector_load %arg17[%get3A_177, %get3A_178] {strides = array<i32>} : memref<64x16xi32, #tpu.memory_space<vmem>>, vector<1x16xi32>,
          %get3A_180 = vector.shape_cast %get3A_179 : vector<1x16xi32> to vector<16xi32>
          %add3A_181 = arith.constant 8 : i32
          %add3A_182 = arith.addi %mul3A_133, %add3A_181 : i32
          %get3A_183 = arith.index_cast %add3A_182 : i32 to index
          %get3A_184 = arith.constant 0 : index
          %get3A_185 = tpu.vector_load %arg17[%get3A_183, %get3A_184] {strides = array<i32>} : memref<64x16xi32, #tpu.memory_space<vmem>>, vector<1x16xi32>,
          %get3A_186 = vector.shape_cast %get3A_185 : vector<1x16xi32> to vector<16xi32>
          %add3A_187 = arith.constant 9 : i32
          %add3A_188 = arith.addi %mul3A_133, %add3A_187 : i32
          %get3A_189 = arith.index_cast %add3A_188 : i32 to index
          %get3A_190 = arith.constant 0 : index
          %get3A_191 = tpu.vector_load %arg17[%get3A_189, %get3A_190] {strides = array<i32>} : memref<64x16xi32, #tpu.memory_space<vmem>>, vector<1x16xi32>,
          %get3A_192 = vector.shape_cast %get3A_191 : vector<1x16xi32> to vector<16xi32>
          %add3A_193 = arith.constant 10 : i32
          %add3A_194 = arith.addi %mul3A_133, %add3A_193 : i32
          %get3A_195 = arith.index_cast %add3A_194 : i32 to index
          %get3A_196 = arith.constant 0 : index
          %get3A_197 = tpu.vector_load %arg17[%get3A_195, %get3A_196] {strides = array<i32>} : memref<64x16xi32, #tpu.memory_space<vmem>>, vector<1x16xi32>,
          %get3A_198 = vector.shape_cast %get3A_197 : vector<1x16xi32> to vector<16xi32>
          %add3A_199 = arith.constant 11 : i32
          %add3A_200 = arith.addi %mul3A_133, %add3A_199 : i32
          %get3A_201 = arith.index_cast %add3A_200 : i32 to index
          %get3A_202 = arith.constant 0 : index
          %get3A_203 = tpu.vector_load %arg17[%get3A_201, %get3A_202] {strides = array<i32>} : memref<64x16xi32, #tpu.memory_space<vmem>>, vector<1x16xi32>,
          %get3A_204 = vector.shape_cast %get3A_203 : vector<1x16xi32> to vector<16xi32>
          %add3A_205 = arith.constant 12 : i32
          %add3A_206 = arith.addi %mul3A_133, %add3A_205 : i32
          %get3A_207 = arith.index_cast %add3A_206 : i32 to index
          %get3A_208 = arith.constant 0 : index
          %get3A_209 = tpu.vector_load %arg17[%get3A_207, %get3A_208] {strides = array<i32>} : memref<64x16xi32, #tpu.memory_space<vmem>>, vector<1x16xi32>,
          %get3A_210 = vector.shape_cast %get3A_209 : vector<1x16xi32> to vector<16xi32>
          %add3A_211 = arith.constant 13 : i32
          %add3A_212 = arith.addi %mul3A_133, %add3A_211 : i32
          %get3A_213 = arith.index_cast %add3A_212 : i32 to index
          %get3A_214 = arith.constant 0 : index
          %get3A_215 = tpu.vector_load %arg17[%get3A_213, %get3A_214] {strides = array<i32>} : memref<64x16xi32, #tpu.memory_space<vmem>>, vector<1x16xi32>,
          %get3A_216 = vector.shape_cast %get3A_215 : vector<1x16xi32> to vector<16xi32>
          %add3A_217 = arith.constant 14 : i32
          %add3A_218 = arith.addi %mul3A_133, %add3A_217 : i32
          %get3A_219 = arith.index_cast %add3A_218 : i32 to index
          %get3A_220 = arith.constant 0 : index
          %get3A_221 = tpu.vector_load %arg17[%get3A_219, %get3A_220] {strides = array<i32>} : memref<64x16xi32, #tpu.memory_space<vmem>>, vector<1x16xi32>,
          %get3A_222 = vector.shape_cast %get3A_221 : vector<1x16xi32> to vector<16xi32>
          %add3A_223 = arith.constant 15 : i32
          %add3A_224 = arith.addi %mul3A_133, %add3A_223 : i32
          %get3A_225 = arith.index_cast %add3A_224 : i32 to index
          %get3A_226 = arith.constant 0 : index
          %get3A_227 = tpu.vector_load %arg17[%get3A_225, %get3A_226] {strides = array<i32>} : memref<64x16xi32, #tpu.memory_space<vmem>>, vector<1x16xi32>,
          %get3A_228 = vector.shape_cast %get3A_227 : vector<1x16xi32> to vector<16xi32>
          %scan3A_229 = arith.constant 0 : i32
          %scan3A_230 = arith.constant 8 : i32
          %scan3A_231 = arith.addi %scan3A_229, %scan3A_230 : i32
          %scan3A_232 = arith.constant 1 : i32
          %scan3A_233:16 = scf.for %scan3A_346 = %scan3A_229 to %scan3A_231 step %scan3A_232 iter_args(%scan3A_347 = %get3A_138, %scan3A_348 = %get3A_144, %scan3A_349 = %get3A_150, %scan3A_350 = %get3A_156, %scan3A_351 = %get3A_162, %scan3A_352 = %get3A_168, %scan3A_353 = %get3A_174, %scan3A_354 = %get3A_180, %scan3A_355 = %get3A_186, %scan3A_356 = %get3A_192, %scan3A_357 = %get3A_198, %scan3A_358 = %get3A_204, %scan3A_359 = %get3A_210, %scan3A_360 = %get3A_216, %scan3A_361 = %get3A_222, %scan3A_362 = %get3A_228) -> (vector<16xi32>, vector<16xi32>, vector<16xi32>, vector<16xi32>, vector<16xi32>, vector<16xi32>, vector<16xi32>, vector<16xi32>, vector<16xi32>, vector<16xi32>, vector<16xi32>, vector<16xi32>, vector<16xi32>, vector<16xi32>, vector<16xi32>, vector<16xi32>)  : i32 {
            %mul3A_363 = arith.constant 16 : i32
            %mul3A_364 = arith.muli %scan3A_346, %mul3A_363 : i32
            %get3A_365 = arith.index_cast %mul3A_364 : i32 to index
            %get3A_366 = tpu.vector_load %arg11[%get3A_365] {strides = array<i32>} : memref<128xi32, #tpu.memory_space<vmem>>, vector<16xi32>,
            %get3A_367 = vector.shape_cast %get3A_366 : vector<16xi32> to vector<16xi32>
            %add3A_368 = arith.constant 0 : i32
            %add3A_369 = arith.addi %mul3A_133, %add3A_368 : i32
            %eq3A_370 = vector.broadcast %add3A_369 : i32 to vector<16xi32>
            %eq3A_371 = arith.cmpi eq, %get3A_367, %eq3A_370 : vector<16xi32>
            %jit3A = arith.constant 1 : i32
            %jit3A_372 = arith.constant 0 : i32
            %broadcast_in_dim3A_373 = vector.broadcast %jit3A : i32 to vector<16xi32>
            %broadcast_in_dim3A_374 = vector.broadcast %jit3A_372 : i32 to vector<16xi32>
            %select_n3A = arith.select %eq3A_371, %broadcast_in_dim3A_373, %broadcast_in_dim3A_374 : vector<16xi1>, vector<16xi32>
            %add3A_375 = arith.addi %scan3A_347, %select_n3A : vector<16xi32>
            %add3A_376 = arith.constant 1 : i32
            %add3A_377 = arith.addi %mul3A_133, %add3A_376 : i32
            %eq3A_378 = vector.broadcast %add3A_377 : i32 to vector<16xi32>
            %eq3A_379 = arith.cmpi eq, %get3A_367, %eq3A_378 : vector<16xi32>
            %jit3A_380 = arith.constant 1 : i32
            %jit3A_381 = arith.constant 0 : i32
            %broadcast_in_dim3A_382 = vector.broadcast %jit3A_380 : i32 to vector<16xi32>
            %broadcast_in_dim3A_383 = vector.broadcast %jit3A_381 : i32 to vector<16xi32>
            %select_n3A_384 = arith.select %eq3A_379, %broadcast_in_dim3A_382, %broadcast_in_dim3A_383 : vector<16xi1>, vector<16xi32>
            %add3A_385 = arith.addi %scan3A_348, %select_n3A_384 : vector<16xi32>
            %add3A_386 = arith.constant 2 : i32
            %add3A_387 = arith.addi %mul3A_133, %add3A_386 : i32
            %eq3A_388 = vector.broadcast %add3A_387 : i32 to vector<16xi32>
            %eq3A_389 = arith.cmpi eq, %get3A_367, %eq3A_388 : vector<16xi32>
            %jit3A_390 = arith.constant 1 : i32
            %jit3A_391 = arith.constant 0 : i32
            %broadcast_in_dim3A_392 = vector.broadcast %jit3A_390 : i32 to vector<16xi32>
            %broadcast_in_dim3A_393 = vector.broadcast %jit3A_391 : i32 to vector<16xi32>
            %select_n3A_394 = arith.select %eq3A_389, %broadcast_in_dim3A_392, %broadcast_in_dim3A_393 : vector<16xi1>, vector<16xi32>
            %add3A_395 = arith.addi %scan3A_349, %select_n3A_394 : vector<16xi32>
            %add3A_396 = arith.constant 3 : i32
            %add3A_397 = arith.addi %mul3A_133, %add3A_396 : i32
            %eq3A_398 = vector.broadcast %add3A_397 : i32 to vector<16xi32>
            %eq3A_399 = arith.cmpi eq, %get3A_367, %eq3A_398 : vector<16xi32>
            %jit3A_400 = arith.constant 1 : i32
            %jit3A_401 = arith.constant 0 : i32
            %broadcast_in_dim3A_402 = vector.broadcast %jit3A_400 : i32 to vector<16xi32>
            %broadcast_in_dim3A_403 = vector.broadcast %jit3A_401 : i32 to vector<16xi32>
            %select_n3A_404 = arith.select %eq3A_399, %broadcast_in_dim3A_402, %broadcast_in_dim3A_403 : vector<16xi1>, vector<16xi32>
            %add3A_405 = arith.addi %scan3A_350, %select_n3A_404 : vector<16xi32>
            %add3A_406 = arith.constant 4 : i32
            %add3A_407 = arith.addi %mul3A_133, %add3A_406 : i32
            %eq3A_408 = vector.broadcast %add3A_407 : i32 to vector<16xi32>
            %eq3A_409 = arith.cmpi eq, %get3A_367, %eq3A_408 : vector<16xi32>
            %jit3A_410 = arith.constant 1 : i32
            %jit3A_411 = arith.constant 0 : i32
            %broadcast_in_dim3A_412 = vector.broadcast %jit3A_410 : i32 to vector<16xi32>
            %broadcast_in_dim3A_413 = vector.broadcast %jit3A_411 : i32 to vector<16xi32>
            %select_n3A_414 = arith.select %eq3A_409, %broadcast_in_dim3A_412, %broadcast_in_dim3A_413 : vector<16xi1>, vector<16xi32>
            %add3A_415 = arith.addi %scan3A_351, %select_n3A_414 : vector<16xi32>
            %add3A_416 = arith.constant 5 : i32
            %add3A_417 = arith.addi %mul3A_133, %add3A_416 : i32
            %eq3A_418 = vector.broadcast %add3A_417 : i32 to vector<16xi32>
            %eq3A_419 = arith.cmpi eq, %get3A_367, %eq3A_418 : vector<16xi32>
            %jit3A_420 = arith.constant 1 : i32
            %jit3A_421 = arith.constant 0 : i32
            %broadcast_in_dim3A_422 = vector.broadcast %jit3A_420 : i32 to vector<16xi32>
            %broadcast_in_dim3A_423 = vector.broadcast %jit3A_421 : i32 to vector<16xi32>
            %select_n3A_424 = arith.select %eq3A_419, %broadcast_in_dim3A_422, %broadcast_in_dim3A_423 : vector<16xi1>, vector<16xi32>
            %add3A_425 = arith.addi %scan3A_352, %select_n3A_424 : vector<16xi32>
            %add3A_426 = arith.constant 6 : i32
            %add3A_427 = arith.addi %mul3A_133, %add3A_426 : i32
            %eq3A_428 = vector.broadcast %add3A_427 : i32 to vector<16xi32>
            %eq3A_429 = arith.cmpi eq, %get3A_367, %eq3A_428 : vector<16xi32>
            %jit3A_430 = arith.constant 1 : i32
            %jit3A_431 = arith.constant 0 : i32
            %broadcast_in_dim3A_432 = vector.broadcast %jit3A_430 : i32 to vector<16xi32>
            %broadcast_in_dim3A_433 = vector.broadcast %jit3A_431 : i32 to vector<16xi32>
            %select_n3A_434 = arith.select %eq3A_429, %broadcast_in_dim3A_432, %broadcast_in_dim3A_433 : vector<16xi1>, vector<16xi32>
            %add3A_435 = arith.addi %scan3A_353, %select_n3A_434 : vector<16xi32>
            %add3A_436 = arith.constant 7 : i32
            %add3A_437 = arith.addi %mul3A_133, %add3A_436 : i32
            %eq3A_438 = vector.broadcast %add3A_437 : i32 to vector<16xi32>
            %eq3A_439 = arith.cmpi eq, %get3A_367, %eq3A_438 : vector<16xi32>
            %jit3A_440 = arith.constant 1 : i32
            %jit3A_441 = arith.constant 0 : i32
            %broadcast_in_dim3A_442 = vector.broadcast %jit3A_440 : i32 to vector<16xi32>
            %broadcast_in_dim3A_443 = vector.broadcast %jit3A_441 : i32 to vector<16xi32>
            %select_n3A_444 = arith.select %eq3A_439, %broadcast_in_dim3A_442, %broadcast_in_dim3A_443 : vector<16xi1>, vector<16xi32>
            %add3A_445 = arith.addi %scan3A_354, %select_n3A_444 : vector<16xi32>
            %add3A_446 = arith.constant 8 : i32
            %add3A_447 = arith.addi %mul3A_133, %add3A_446 : i32
            %eq3A_448 = vector.broadcast %add3A_447 : i32 to vector<16xi32>
            %eq3A_449 = arith.cmpi eq, %get3A_367, %eq3A_448 : vector<16xi32>
            %jit3A_450 = arith.constant 1 : i32
            %jit3A_451 = arith.constant 0 : i32
            %broadcast_in_dim3A_452 = vector.broadcast %jit3A_450 : i32 to vector<16xi32>
            %broadcast_in_dim3A_453 = vector.broadcast %jit3A_451 : i32 to vector<16xi32>
            %select_n3A_454 = arith.select %eq3A_449, %broadcast_in_dim3A_452, %broadcast_in_dim3A_453 : vector<16xi1>, vector<16xi32>
            %add3A_455 = arith.addi %scan3A_355, %select_n3A_454 : vector<16xi32>
            %add3A_456 = arith.constant 9 : i32
            %add3A_457 = arith.addi %mul3A_133, %add3A_456 : i32
            %eq3A_458 = vector.broadcast %add3A_457 : i32 to vector<16xi32>
            %eq3A_459 = arith.cmpi eq, %get3A_367, %eq3A_458 : vector<16xi32>
            %jit3A_460 = arith.constant 1 : i32
            %jit3A_461 = arith.constant 0 : i32
            %broadcast_in_dim3A_462 = vector.broadcast %jit3A_460 : i32 to vector<16xi32>
            %broadcast_in_dim3A_463 = vector.broadcast %jit3A_461 : i32 to vector<16xi32>
            %select_n3A_464 = arith.select %eq3A_459, %broadcast_in_dim3A_462, %broadcast_in_dim3A_463 : vector<16xi1>, vector<16xi32>
            %add3A_465 = arith.addi %scan3A_356, %select_n3A_464 : vector<16xi32>
            %add3A_466 = arith.constant 10 : i32
            %add3A_467 = arith.addi %mul3A_133, %add3A_466 : i32
            %eq3A_468 = vector.broadcast %add3A_467 : i32 to vector<16xi32>
            %eq3A_469 = arith.cmpi eq, %get3A_367, %eq3A_468 : vector<16xi32>
            %jit3A_470 = arith.constant 1 : i32
            %jit3A_471 = arith.constant 0 : i32
            %broadcast_in_dim3A_472 = vector.broadcast %jit3A_470 : i32 to vector<16xi32>
            %broadcast_in_dim3A_473 = vector.broadcast %jit3A_471 : i32 to vector<16xi32>
            %select_n3A_474 = arith.select %eq3A_469, %broadcast_in_dim3A_472, %broadcast_in_dim3A_473 : vector<16xi1>, vector<16xi32>
            %add3A_475 = arith.addi %scan3A_357, %select_n3A_474 : vector<16xi32>
            %add3A_476 = arith.constant 11 : i32
            %add3A_477 = arith.addi %mul3A_133, %add3A_476 : i32
            %eq3A_478 = vector.broadcast %add3A_477 : i32 to vector<16xi32>
            %eq3A_479 = arith.cmpi eq, %get3A_367, %eq3A_478 : vector<16xi32>
            %jit3A_480 = arith.constant 1 : i32
            %jit3A_481 = arith.constant 0 : i32
            %broadcast_in_dim3A_482 = vector.broadcast %jit3A_480 : i32 to vector<16xi32>
            %broadcast_in_dim3A_483 = vector.broadcast %jit3A_481 : i32 to vector<16xi32>
            %select_n3A_484 = arith.select %eq3A_479, %broadcast_in_dim3A_482, %broadcast_in_dim3A_483 : vector<16xi1>, vector<16xi32>
            %add3A_485 = arith.addi %scan3A_358, %select_n3A_484 : vector<16xi32>
            %add3A_486 = arith.constant 12 : i32
            %add3A_487 = arith.addi %mul3A_133, %add3A_486 : i32
            %eq3A_488 = vector.broadcast %add3A_487 : i32 to vector<16xi32>
            %eq3A_489 = arith.cmpi eq, %get3A_367, %eq3A_488 : vector<16xi32>
            %jit3A_490 = arith.constant 1 : i32
            %jit3A_491 = arith.constant 0 : i32
            %broadcast_in_dim3A_492 = vector.broadcast %jit3A_490 : i32 to vector<16xi32>
            %broadcast_in_dim3A_493 = vector.broadcast %jit3A_491 : i32 to vector<16xi32>
            %select_n3A_494 = arith.select %eq3A_489, %broadcast_in_dim3A_492, %broadcast_in_dim3A_493 : vector<16xi1>, vector<16xi32>
            %add3A_495 = arith.addi %scan3A_359, %select_n3A_494 : vector<16xi32>
            %add3A_496 = arith.constant 13 : i32
            %add3A_497 = arith.addi %mul3A_133, %add3A_496 : i32
            %eq3A_498 = vector.broadcast %add3A_497 : i32 to vector<16xi32>
            %eq3A_499 = arith.cmpi eq, %get3A_367, %eq3A_498 : vector<16xi32>
            %jit3A_500 = arith.constant 1 : i32
            %jit3A_501 = arith.constant 0 : i32
            %broadcast_in_dim3A_502 = vector.broadcast %jit3A_500 : i32 to vector<16xi32>
            %broadcast_in_dim3A_503 = vector.broadcast %jit3A_501 : i32 to vector<16xi32>
            %select_n3A_504 = arith.select %eq3A_499, %broadcast_in_dim3A_502, %broadcast_in_dim3A_503 : vector<16xi1>, vector<16xi32>
            %add3A_505 = arith.addi %scan3A_360, %select_n3A_504 : vector<16xi32>
            %add3A_506 = arith.constant 14 : i32
            %add3A_507 = arith.addi %mul3A_133, %add3A_506 : i32
            %eq3A_508 = vector.broadcast %add3A_507 : i32 to vector<16xi32>
            %eq3A_509 = arith.cmpi eq, %get3A_367, %eq3A_508 : vector<16xi32>
            %jit3A_510 = arith.constant 1 : i32
            %jit3A_511 = arith.constant 0 : i32
            %broadcast_in_dim3A_512 = vector.broadcast %jit3A_510 : i32 to vector<16xi32>
            %broadcast_in_dim3A_513 = vector.broadcast %jit3A_511 : i32 to vector<16xi32>
            %select_n3A_514 = arith.select %eq3A_509, %broadcast_in_dim3A_512, %broadcast_in_dim3A_513 : vector<16xi1>, vector<16xi32>
            %add3A_515 = arith.addi %scan3A_361, %select_n3A_514 : vector<16xi32>
            %add3A_516 = arith.constant 15 : i32
            %add3A_517 = arith.addi %mul3A_133, %add3A_516 : i32
            %eq3A_518 = vector.broadcast %add3A_517 : i32 to vector<16xi32>
            %eq3A_519 = arith.cmpi eq, %get3A_367, %eq3A_518 : vector<16xi32>
            %jit3A_520 = arith.constant 1 : i32
            %jit3A_521 = arith.constant 0 : i32
            %broadcast_in_dim3A_522 = vector.broadcast %jit3A_520 : i32 to vector<16xi32>
            %broadcast_in_dim3A_523 = vector.broadcast %jit3A_521 : i32 to vector<16xi32>
            %select_n3A_524 = arith.select %eq3A_519, %broadcast_in_dim3A_522, %broadcast_in_dim3A_523 : vector<16xi1>, vector<16xi32>
            %add3A_525 = arith.addi %scan3A_362, %select_n3A_524 : vector<16xi32>
            scf.yield %add3A_375, %add3A_385, %add3A_395, %add3A_405, %add3A_415, %add3A_425, %add3A_435, %add3A_445, %add3A_455, %add3A_465, %add3A_475, %add3A_485, %add3A_495, %add3A_505, %add3A_515, %add3A_525 : vector<16xi32>, vector<16xi32>, vector<16xi32>, vector<16xi32>, vector<16xi32>, vector<16xi32>, vector<16xi32>, vector<16xi32>, vector<16xi32>, vector<16xi32>, vector<16xi32>, vector<16xi32>, vector<16xi32>, vector<16xi32>, vector<16xi32>, vector<16xi32>
          }
          %scan3A_234 = arith.constant 8 : i32
          %add3A_235 = arith.constant 0 : i32
          %add3A_236 = arith.addi %mul3A_133, %add3A_235 : i32
          %swap3A = arith.index_cast %add3A_236 : i32 to index
          %swap3A_237 = arith.constant 0 : index
          %swap3A_238 = tpu.vector_load %arg17[%swap3A, %swap3A_237] {strides = array<i32>} : memref<64x16xi32, #tpu.memory_space<vmem>>, vector<1x16xi32>,
          %swap3A_239 = vector.shape_cast %swap3A_238 : vector<1x16xi32> to vector<16xi32>
          %swap3A_240 = vector.shape_cast %scan3A_233#0 : vector<16xi32> to vector<1x16xi32>
          tpu.vector_store %arg17[%swap3A, %swap3A_237], %swap3A_240 {strides = array<i32>} : memref<64x16xi32, #tpu.memory_space<vmem>>, vector<1x16xi32>,
          %add3A_241 = arith.constant 1 : i32
          %add3A_242 = arith.addi %mul3A_133, %add3A_241 : i32
          %swap3A_243 = arith.index_cast %add3A_242 : i32 to index
          %swap3A_244 = arith.constant 0 : index
          %swap3A_245 = tpu.vector_load %arg17[%swap3A_243, %swap3A_244] {strides = array<i32>} : memref<64x16xi32, #tpu.memory_space<vmem>>, vector<1x16xi32>,
          %swap3A_246 = vector.shape_cast %swap3A_245 : vector<1x16xi32> to vector<16xi32>
          %swap3A_247 = vector.shape_cast %scan3A_233#1 : vector<16xi32> to vector<1x16xi32>
          tpu.vector_store %arg17[%swap3A_243, %swap3A_244], %swap3A_247 {strides = array<i32>} : memref<64x16xi32, #tpu.memory_space<vmem>>, vector<1x16xi32>,
          %add3A_248 = arith.constant 2 : i32
          %add3A_249 = arith.addi %mul3A_133, %add3A_248 : i32
          %swap3A_250 = arith.index_cast %add3A_249 : i32 to index
          %swap3A_251 = arith.constant 0 : index
          %swap3A_252 = tpu.vector_load %arg17[%swap3A_250, %swap3A_251] {strides = array<i32>} : memref<64x16xi32, #tpu.memory_space<vmem>>, vector<1x16xi32>,
          %swap3A_253 = vector.shape_cast %swap3A_252 : vector<1x16xi32> to vector<16xi32>
          %swap3A_254 = vector.shape_cast %scan3A_233#2 : vector<16xi32> to vector<1x16xi32>
          tpu.vector_store %arg17[%swap3A_250, %swap3A_251], %swap3A_254 {strides = array<i32>} : memref<64x16xi32, #tpu.memory_space<vmem>>, vector<1x16xi32>,
          %add3A_255 = arith.constant 3 : i32
          %add3A_256 = arith.addi %mul3A_133, %add3A_255 : i32
          %swap3A_257 = arith.index_cast %add3A_256 : i32 to index
          %swap3A_258 = arith.constant 0 : index
          %swap3A_259 = tpu.vector_load %arg17[%swap3A_257, %swap3A_258] {strides = array<i32>} : memref<64x16xi32, #tpu.memory_space<vmem>>, vector<1x16xi32>,
          %swap3A_260 = vector.shape_cast %swap3A_259 : vector<1x16xi32> to vector<16xi32>
          %swap3A_261 = vector.shape_cast %scan3A_233#3 : vector<16xi32> to vector<1x16xi32>
          tpu.vector_store %arg17[%swap3A_257, %swap3A_258], %swap3A_261 {strides = array<i32>} : memref<64x16xi32, #tpu.memory_space<vmem>>, vector<1x16xi32>,
          %add3A_262 = arith.constant 4 : i32
          %add3A_263 = arith.addi %mul3A_133, %add3A_262 : i32
          %swap3A_264 = arith.index_cast %add3A_263 : i32 to index
          %swap3A_265 = arith.constant 0 : index
          %swap3A_266 = tpu.vector_load %arg17[%swap3A_264, %swap3A_265] {strides = array<i32>} : memref<64x16xi32, #tpu.memory_space<vmem>>, vector<1x16xi32>,
          %swap3A_267 = vector.shape_cast %swap3A_266 : vector<1x16xi32> to vector<16xi32>
          %swap3A_268 = vector.shape_cast %scan3A_233#4 : vector<16xi32> to vector<1x16xi32>
          tpu.vector_store %arg17[%swap3A_264, %swap3A_265], %swap3A_268 {strides = array<i32>} : memref<64x16xi32, #tpu.memory_space<vmem>>, vector<1x16xi32>,
          %add3A_269 = arith.constant 5 : i32
          %add3A_270 = arith.addi %mul3A_133, %add3A_269 : i32
          %swap3A_271 = arith.index_cast %add3A_270 : i32 to index
          %swap3A_272 = arith.constant 0 : index
          %swap3A_273 = tpu.vector_load %arg17[%swap3A_271, %swap3A_272] {strides = array<i32>} : memref<64x16xi32, #tpu.memory_space<vmem>>, vector<1x16xi32>,
          %swap3A_274 = vector.shape_cast %swap3A_273 : vector<1x16xi32> to vector<16xi32>
          %swap3A_275 = vector.shape_cast %scan3A_233#5 : vector<16xi32> to vector<1x16xi32>
          tpu.vector_store %arg17[%swap3A_271, %swap3A_272], %swap3A_275 {strides = array<i32>} : memref<64x16xi32, #tpu.memory_space<vmem>>, vector<1x16xi32>,
          %add3A_276 = arith.constant 6 : i32
          %add3A_277 = arith.addi %mul3A_133, %add3A_276 : i32
          %swap3A_278 = arith.index_cast %add3A_277 : i32 to index
          %swap3A_279 = arith.constant 0 : index
          %swap3A_280 = tpu.vector_load %arg17[%swap3A_278, %swap3A_279] {strides = array<i32>} : memref<64x16xi32, #tpu.memory_space<vmem>>, vector<1x16xi32>,
          %swap3A_281 = vector.shape_cast %swap3A_280 : vector<1x16xi32> to vector<16xi32>
          %swap3A_282 = vector.shape_cast %scan3A_233#6 : vector<16xi32> to vector<1x16xi32>
          tpu.vector_store %arg17[%swap3A_278, %swap3A_279], %swap3A_282 {strides = array<i32>} : memref<64x16xi32, #tpu.memory_space<vmem>>, vector<1x16xi32>,
          %add3A_283 = arith.constant 7 : i32
          %add3A_284 = arith.addi %mul3A_133, %add3A_283 : i32
          %swap3A_285 = arith.index_cast %add3A_284 : i32 to index
          %swap3A_286 = arith.constant 0 : index
          %swap3A_287 = tpu.vector_load %arg17[%swap3A_285, %swap3A_286] {strides = array<i32>} : memref<64x16xi32, #tpu.memory_space<vmem>>, vector<1x16xi32>,
          %swap3A_288 = vector.shape_cast %swap3A_287 : vector<1x16xi32> to vector<16xi32>
          %swap3A_289 = vector.shape_cast %scan3A_233#7 : vector<16xi32> to vector<1x16xi32>
          tpu.vector_store %arg17[%swap3A_285, %swap3A_286], %swap3A_289 {strides = array<i32>} : memref<64x16xi32, #tpu.memory_space<vmem>>, vector<1x16xi32>,
          %add3A_290 = arith.constant 8 : i32
          %add3A_291 = arith.addi %mul3A_133, %add3A_290 : i32
          %swap3A_292 = arith.index_cast %add3A_291 : i32 to index
          %swap3A_293 = arith.constant 0 : index
          %swap3A_294 = tpu.vector_load %arg17[%swap3A_292, %swap3A_293] {strides = array<i32>} : memref<64x16xi32, #tpu.memory_space<vmem>>, vector<1x16xi32>,
          %swap3A_295 = vector.shape_cast %swap3A_294 : vector<1x16xi32> to vector<16xi32>
          %swap3A_296 = vector.shape_cast %scan3A_233#8 : vector<16xi32> to vector<1x16xi32>
          tpu.vector_store %arg17[%swap3A_292, %swap3A_293], %swap3A_296 {strides = array<i32>} : memref<64x16xi32, #tpu.memory_space<vmem>>, vector<1x16xi32>,
          %add3A_297 = arith.constant 9 : i32
          %add3A_298 = arith.addi %mul3A_133, %add3A_297 : i32
          %swap3A_299 = arith.index_cast %add3A_298 : i32 to index
          %swap3A_300 = arith.constant 0 : index
          %swap3A_301 = tpu.vector_load %arg17[%swap3A_299, %swap3A_300] {strides = array<i32>} : memref<64x16xi32, #tpu.memory_space<vmem>>, vector<1x16xi32>,
          %swap3A_302 = vector.shape_cast %swap3A_301 : vector<1x16xi32> to vector<16xi32>
          %swap3A_303 = vector.shape_cast %scan3A_233#9 : vector<16xi32> to vector<1x16xi32>
          tpu.vector_store %arg17[%swap3A_299, %swap3A_300], %swap3A_303 {strides = array<i32>} : memref<64x16xi32, #tpu.memory_space<vmem>>, vector<1x16xi32>,
          %add3A_304 = arith.constant 10 : i32
          %add3A_305 = arith.addi %mul3A_133, %add3A_304 : i32
          %swap3A_306 = arith.index_cast %add3A_305 : i32 to index
          %swap3A_307 = arith.constant 0 : index
          %swap3A_308 = tpu.vector_load %arg17[%swap3A_306, %swap3A_307] {strides = array<i32>} : memref<64x16xi32, #tpu.memory_space<vmem>>, vector<1x16xi32>,
          %swap3A_309 = vector.shape_cast %swap3A_308 : vector<1x16xi32> to vector<16xi32>
          %swap3A_310 = vector.shape_cast %scan3A_233#10 : vector<16xi32> to vector<1x16xi32>
          tpu.vector_store %arg17[%swap3A_306, %swap3A_307], %swap3A_310 {strides = array<i32>} : memref<64x16xi32, #tpu.memory_space<vmem>>, vector<1x16xi32>,
          %add3A_311 = arith.constant 11 : i32
          %add3A_312 = arith.addi %mul3A_133, %add3A_311 : i32
          %swap3A_313 = arith.index_cast %add3A_312 : i32 to index
          %swap3A_314 = arith.constant 0 : index
          %swap3A_315 = tpu.vector_load %arg17[%swap3A_313, %swap3A_314] {strides = array<i32>} : memref<64x16xi32, #tpu.memory_space<vmem>>, vector<1x16xi32>,
          %swap3A_316 = vector.shape_cast %swap3A_315 : vector<1x16xi32> to vector<16xi32>
          %swap3A_317 = vector.shape_cast %scan3A_233#11 : vector<16xi32> to vector<1x16xi32>
          tpu.vector_store %arg17[%swap3A_313, %swap3A_314], %swap3A_317 {strides = array<i32>} : memref<64x16xi32, #tpu.memory_space<vmem>>, vector<1x16xi32>,
          %add3A_318 = arith.constant 12 : i32
          %add3A_319 = arith.addi %mul3A_133, %add3A_318 : i32
          %swap3A_320 = arith.index_cast %add3A_319 : i32 to index
          %swap3A_321 = arith.constant 0 : index
          %swap3A_322 = tpu.vector_load %arg17[%swap3A_320, %swap3A_321] {strides = array<i32>} : memref<64x16xi32, #tpu.memory_space<vmem>>, vector<1x16xi32>,
          %swap3A_323 = vector.shape_cast %swap3A_322 : vector<1x16xi32> to vector<16xi32>
          %swap3A_324 = vector.shape_cast %scan3A_233#12 : vector<16xi32> to vector<1x16xi32>
          tpu.vector_store %arg17[%swap3A_320, %swap3A_321], %swap3A_324 {strides = array<i32>} : memref<64x16xi32, #tpu.memory_space<vmem>>, vector<1x16xi32>,
          %add3A_325 = arith.constant 13 : i32
          %add3A_326 = arith.addi %mul3A_133, %add3A_325 : i32
          %swap3A_327 = arith.index_cast %add3A_326 : i32 to index
          %swap3A_328 = arith.constant 0 : index
          %swap3A_329 = tpu.vector_load %arg17[%swap3A_327, %swap3A_328] {strides = array<i32>} : memref<64x16xi32, #tpu.memory_space<vmem>>, vector<1x16xi32>,
          %swap3A_330 = vector.shape_cast %swap3A_329 : vector<1x16xi32> to vector<16xi32>
          %swap3A_331 = vector.shape_cast %scan3A_233#13 : vector<16xi32> to vector<1x16xi32>
          tpu.vector_store %arg17[%swap3A_327, %swap3A_328], %swap3A_331 {strides = array<i32>} : memref<64x16xi32, #tpu.memory_space<vmem>>, vector<1x16xi32>,
          %add3A_332 = arith.constant 14 : i32
          %add3A_333 = arith.addi %mul3A_133, %add3A_332 : i32
          %swap3A_334 = arith.index_cast %add3A_333 : i32 to index
          %swap3A_335 = arith.constant 0 : index
          %swap3A_336 = tpu.vector_load %arg17[%swap3A_334, %swap3A_335] {strides = array<i32>} : memref<64x16xi32, #tpu.memory_space<vmem>>, vector<1x16xi32>,
          %swap3A_337 = vector.shape_cast %swap3A_336 : vector<1x16xi32> to vector<16xi32>
          %swap3A_338 = vector.shape_cast %scan3A_233#14 : vector<16xi32> to vector<1x16xi32>
          tpu.vector_store %arg17[%swap3A_334, %swap3A_335], %swap3A_338 {strides = array<i32>} : memref<64x16xi32, #tpu.memory_space<vmem>>, vector<1x16xi32>,
          %add3A_339 = arith.constant 15 : i32
          %add3A_340 = arith.addi %mul3A_133, %add3A_339 : i32
          %swap3A_341 = arith.index_cast %add3A_340 : i32 to index
          %swap3A_342 = arith.constant 0 : index
          %swap3A_343 = tpu.vector_load %arg17[%swap3A_341, %swap3A_342] {strides = array<i32>} : memref<64x16xi32, #tpu.memory_space<vmem>>, vector<1x16xi32>,
          %swap3A_344 = vector.shape_cast %swap3A_343 : vector<1x16xi32> to vector<16xi32>
          %swap3A_345 = vector.shape_cast %scan3A_233#15 : vector<16xi32> to vector<1x16xi32>
          tpu.vector_store %arg17[%swap3A_341, %swap3A_342], %swap3A_345 {strides = array<i32>} : memref<64x16xi32, #tpu.memory_space<vmem>>, vector<1x16xi32>,
        }
        %scan3A_127 = arith.constant 4 : i32
        %dma_wait3A_128 = arith.constant 0 : i32
        %dma_wait3A_129 = arith.constant 0 : i32
        %dma_wait3A_130 = tpu.memref_slice %arg18[%dma_wait3A_128, %dma_wait3A_129] : memref<64x128xf32, #tpu.memory_space<vmem_shared>> -> memref<64x128xf32, #tpu.memory_space<vmem_shared>>
        tpu.wait_indirect_dma semaphore(%arg16 : memref<!tpu.dma_semaphore, #tpu.memory_space<semaphore_mem>>) src(%arg8 : memref<128x128xf32, #tpu.memory_space<vmem>>) dst(%dma_wait3A_130 : memref<64x128xf32, #tpu.memory_space<vmem_shared>>)
      } else {
      }
      %add3A_81 = arith.constant 96 : i32
      %add3A_82 = arith.addi %add3A_75, %add3A_81 : i32
      %lt3A_83 = arith.constant 2500 : i32
      %lt3A_84 = arith.cmpi slt, %add3A_82, %lt3A_83 : i32
      %convert_element_type3A_85 = arith.extui %lt3A_84 : i1 to i32
      %cond3A_86 = arith.constant 0 : i32
      %cond3A_87 = arith.cmpi ne, %convert_element_type3A_85, %cond3A_86 : i32
      scf.if %cond3A_87 {
        %mul3A_109 = arith.constant 128 : i32
        %mul3A_110 = arith.muli %add3A_82, %mul3A_109 : i32
        %dma_start3A = arith.constant 0 : i32
        %dma_start3A_111 = tpu.memref_slice %arg2[%mul3A_110, %dma_start3A] : memref<320000x128xf32, #tpu.memory_space<hbm>> -> memref<128x128xf32, #tpu.memory_space<hbm>>
        %dma_start3A_112 = arith.constant 0 : i32
        %dma_start3A_113 = tpu.memref_slice %arg2[%mul3A_110, %dma_start3A_112] : memref<320000x128xf32, #tpu.memory_space<hbm>> -> memref<128x128xf32, #tpu.memory_space<hbm>>
        tpu.enqueue_dma source(%dma_start3A_113 : memref<128x128xf32, #tpu.memory_space<hbm>>) target(%arg8 : memref<128x128xf32, #tpu.memory_space<vmem>>) target_semaphore(%arg14 : memref<!tpu.dma_semaphore, #tpu.memory_space<semaphore_mem>>)
        %dma_start3A_114 = arith.constant 0 : i32
        %dma_start3A_115 = tpu.memref_slice %arg3[%add3A_82, %dma_start3A_114] : memref<2500x128xi32, #tpu.memory_space<hbm>> -> memref<1x128xi32, #tpu.memory_space<hbm>>
        %dma_start3A_116 = tpu.memref_squeeze %dma_start3A_115 : memref<1x128xi32, #tpu.memory_space<hbm>> -> memref<128xi32, #tpu.memory_space<hbm>>
        %dma_start3A_117 = arith.constant 0 : i32
        %dma_start3A_118 = tpu.memref_slice %arg3[%add3A_82, %dma_start3A_117] : memref<2500x128xi32, #tpu.memory_space<hbm>> -> memref<1x128xi32, #tpu.memory_space<hbm>>
        %dma_start3A_119 = tpu.memref_squeeze %dma_start3A_118 : memref<1x128xi32, #tpu.memory_space<hbm>> -> memref<128xi32, #tpu.memory_space<hbm>>
        tpu.enqueue_dma source(%dma_start3A_119 : memref<128xi32, #tpu.memory_space<hbm>>) target(%arg11 : memref<128xi32, #tpu.memory_space<vmem>>) target_semaphore(%arg14 : memref<!tpu.dma_semaphore, #tpu.memory_space<semaphore_mem>>)
      } else {
      }
      %add3A_88 = arith.constant 816 : i32
      %add3A_89 = arith.addi %add3A_88, %add3A : i32
      %mul3A_90 = arith.constant 3 : i32
      %mul3A_91 = arith.muli %mul3A_90, %scan3A_45 : i32
      %add3A_92 = arith.constant 2 : i32
      %add3A_93 = arith.addi %mul3A_91, %add3A_92 : i32
      %mul3A_94 = arith.constant 32 : i32
      %mul3A_95 = arith.muli %add3A_93, %mul3A_94 : i32
      %add3A_96 = arith.addi %add3A_89, %mul3A_95 : i32
      %lt3A_97 = arith.constant 2500 : i32
      %lt3A_98 = arith.cmpi slt, %add3A_96, %lt3A_97 : i32
      %convert_element_type3A_99 = arith.extui %lt3A_98 : i1 to i32
      %cond3A_100 = arith.constant 0 : i32
      %cond3A_101 = arith.cmpi ne, %convert_element_type3A_99, %cond3A_100 : i32
      scf.if %cond3A_101 {
        %mul3A_109 = arith.constant 128 : i32
        %mul3A_110 = arith.muli %add3A_96, %mul3A_109 : i32
        %dma_wait3A = arith.constant 0 : i32
        %dma_wait3A_111 = tpu.memref_slice %arg2[%mul3A_110, %dma_wait3A] : memref<320000x128xf32, #tpu.memory_space<hbm>> -> memref<128x128xf32, #tpu.memory_space<hbm>>
        %dma_wait3A_112 = arith.constant 0 : i32
        %dma_wait3A_113 = tpu.memref_slice %arg2[%mul3A_110, %dma_wait3A_112] : memref<320000x128xf32, #tpu.memory_space<hbm>> -> memref<128x128xf32, #tpu.memory_space<hbm>>
        tpu.wait_dma2 semaphore(%arg15 : memref<!tpu.dma_semaphore, #tpu.memory_space<semaphore_mem>>) src(%dma_wait3A_113 : memref<128x128xf32, #tpu.memory_space<hbm>>) dst(%arg9 : memref<128x128xf32, #tpu.memory_space<vmem>>)
        %dma_wait3A_114 = arith.constant 0 : i32
        %dma_wait3A_115 = tpu.memref_slice %arg3[%add3A_96, %dma_wait3A_114] : memref<2500x128xi32, #tpu.memory_space<hbm>> -> memref<1x128xi32, #tpu.memory_space<hbm>>
        %dma_wait3A_116 = tpu.memref_squeeze %dma_wait3A_115 : memref<1x128xi32, #tpu.memory_space<hbm>> -> memref<128xi32, #tpu.memory_space<hbm>>
        %dma_wait3A_117 = arith.constant 0 : i32
        %dma_wait3A_118 = tpu.memref_slice %arg3[%add3A_96, %dma_wait3A_117] : memref<2500x128xi32, #tpu.memory_space<hbm>> -> memref<1x128xi32, #tpu.memory_space<hbm>>
        %dma_wait3A_119 = tpu.memref_squeeze %dma_wait3A_118 : memref<1x128xi32, #tpu.memory_space<hbm>> -> memref<128xi32, #tpu.memory_space<hbm>>
        tpu.wait_dma2 semaphore(%arg15 : memref<!tpu.dma_semaphore, #tpu.memory_space<semaphore_mem>>) src(%dma_wait3A_119 : memref<128xi32, #tpu.memory_space<hbm>>) dst(%arg12 : memref<128xi32, #tpu.memory_space<vmem>>)
        %dma_start3A = arith.constant 0 : i32
        %dma_start3A_120 = arith.constant 0 : i32
        %dma_start3A_121 = tpu.memref_slice %arg18[%dma_start3A, %dma_start3A_120] : memref<64x128xf32, #tpu.memory_space<vmem_shared>> -> memref<64x128xf32, #tpu.memory_space<vmem_shared>>
        tpu.enqueue_indirect_dma source(%arg9 : memref<128x128xf32, #tpu.memory_space<vmem>>) target(%dma_start3A_121 : memref<64x128xf32, #tpu.memory_space<vmem_shared>>) offsets(%arg12 : memref<128xi32, #tpu.memory_space<vmem>>) semaphore(%arg16 : memref<!tpu.dma_semaphore, #tpu.memory_space<semaphore_mem>>) {add = true}
        %scan3A_122 = arith.constant 0 : i32
        %scan3A_123 = arith.constant 0 : i32
        %scan3A_124 = arith.constant 4 : i32
        %scan3A_125 = arith.addi %scan3A_123, %scan3A_124 : i32
        %scan3A_126 = arith.constant 1 : i32
        scf.for %scan3A_131 = %scan3A_123 to %scan3A_125 step %scan3A_126  : i32 {
          %mul3A_132 = arith.constant 16 : i32
          %mul3A_133 = arith.muli %scan3A_131, %mul3A_132 : i32
          %add3A_134 = arith.constant 0 : i32
          %add3A_135 = arith.addi %mul3A_133, %add3A_134 : i32
          %get3A = arith.index_cast %add3A_135 : i32 to index
          %get3A_136 = arith.constant 0 : index
          %get3A_137 = tpu.vector_load %arg17[%get3A, %get3A_136] {strides = array<i32>} : memref<64x16xi32, #tpu.memory_space<vmem>>, vector<1x16xi32>,
          %get3A_138 = vector.shape_cast %get3A_137 : vector<1x16xi32> to vector<16xi32>
          %add3A_139 = arith.constant 1 : i32
          %add3A_140 = arith.addi %mul3A_133, %add3A_139 : i32
          %get3A_141 = arith.index_cast %add3A_140 : i32 to index
          %get3A_142 = arith.constant 0 : index
          %get3A_143 = tpu.vector_load %arg17[%get3A_141, %get3A_142] {strides = array<i32>} : memref<64x16xi32, #tpu.memory_space<vmem>>, vector<1x16xi32>,
          %get3A_144 = vector.shape_cast %get3A_143 : vector<1x16xi32> to vector<16xi32>
          %add3A_145 = arith.constant 2 : i32
          %add3A_146 = arith.addi %mul3A_133, %add3A_145 : i32
          %get3A_147 = arith.index_cast %add3A_146 : i32 to index
          %get3A_148 = arith.constant 0 : index
          %get3A_149 = tpu.vector_load %arg17[%get3A_147, %get3A_148] {strides = array<i32>} : memref<64x16xi32, #tpu.memory_space<vmem>>, vector<1x16xi32>,
          %get3A_150 = vector.shape_cast %get3A_149 : vector<1x16xi32> to vector<16xi32>
          %add3A_151 = arith.constant 3 : i32
          %add3A_152 = arith.addi %mul3A_133, %add3A_151 : i32
          %get3A_153 = arith.index_cast %add3A_152 : i32 to index
          %get3A_154 = arith.constant 0 : index
          %get3A_155 = tpu.vector_load %arg17[%get3A_153, %get3A_154] {strides = array<i32>} : memref<64x16xi32, #tpu.memory_space<vmem>>, vector<1x16xi32>,
          %get3A_156 = vector.shape_cast %get3A_155 : vector<1x16xi32> to vector<16xi32>
          %add3A_157 = arith.constant 4 : i32
          %add3A_158 = arith.addi %mul3A_133, %add3A_157 : i32
          %get3A_159 = arith.index_cast %add3A_158 : i32 to index
          %get3A_160 = arith.constant 0 : index
          %get3A_161 = tpu.vector_load %arg17[%get3A_159, %get3A_160] {strides = array<i32>} : memref<64x16xi32, #tpu.memory_space<vmem>>, vector<1x16xi32>,
          %get3A_162 = vector.shape_cast %get3A_161 : vector<1x16xi32> to vector<16xi32>
          %add3A_163 = arith.constant 5 : i32
          %add3A_164 = arith.addi %mul3A_133, %add3A_163 : i32
          %get3A_165 = arith.index_cast %add3A_164 : i32 to index
          %get3A_166 = arith.constant 0 : index
          %get3A_167 = tpu.vector_load %arg17[%get3A_165, %get3A_166] {strides = array<i32>} : memref<64x16xi32, #tpu.memory_space<vmem>>, vector<1x16xi32>,
          %get3A_168 = vector.shape_cast %get3A_167 : vector<1x16xi32> to vector<16xi32>
          %add3A_169 = arith.constant 6 : i32
          %add3A_170 = arith.addi %mul3A_133, %add3A_169 : i32
          %get3A_171 = arith.index_cast %add3A_170 : i32 to index
          %get3A_172 = arith.constant 0 : index
          %get3A_173 = tpu.vector_load %arg17[%get3A_171, %get3A_172] {strides = array<i32>} : memref<64x16xi32, #tpu.memory_space<vmem>>, vector<1x16xi32>,
          %get3A_174 = vector.shape_cast %get3A_173 : vector<1x16xi32> to vector<16xi32>
          %add3A_175 = arith.constant 7 : i32
          %add3A_176 = arith.addi %mul3A_133, %add3A_175 : i32
          %get3A_177 = arith.index_cast %add3A_176 : i32 to index
          %get3A_178 = arith.constant 0 : index
          %get3A_179 = tpu.vector_load %arg17[%get3A_177, %get3A_178] {strides = array<i32>} : memref<64x16xi32, #tpu.memory_space<vmem>>, vector<1x16xi32>,
          %get3A_180 = vector.shape_cast %get3A_179 : vector<1x16xi32> to vector<16xi32>
          %add3A_181 = arith.constant 8 : i32
          %add3A_182 = arith.addi %mul3A_133, %add3A_181 : i32
          %get3A_183 = arith.index_cast %add3A_182 : i32 to index
          %get3A_184 = arith.constant 0 : index
          %get3A_185 = tpu.vector_load %arg17[%get3A_183, %get3A_184] {strides = array<i32>} : memref<64x16xi32, #tpu.memory_space<vmem>>, vector<1x16xi32>,
          %get3A_186 = vector.shape_cast %get3A_185 : vector<1x16xi32> to vector<16xi32>
          %add3A_187 = arith.constant 9 : i32
          %add3A_188 = arith.addi %mul3A_133, %add3A_187 : i32
          %get3A_189 = arith.index_cast %add3A_188 : i32 to index
          %get3A_190 = arith.constant 0 : index
          %get3A_191 = tpu.vector_load %arg17[%get3A_189, %get3A_190] {strides = array<i32>} : memref<64x16xi32, #tpu.memory_space<vmem>>, vector<1x16xi32>,
          %get3A_192 = vector.shape_cast %get3A_191 : vector<1x16xi32> to vector<16xi32>
          %add3A_193 = arith.constant 10 : i32
          %add3A_194 = arith.addi %mul3A_133, %add3A_193 : i32
          %get3A_195 = arith.index_cast %add3A_194 : i32 to index
          %get3A_196 = arith.constant 0 : index
          %get3A_197 = tpu.vector_load %arg17[%get3A_195, %get3A_196] {strides = array<i32>} : memref<64x16xi32, #tpu.memory_space<vmem>>, vector<1x16xi32>,
          %get3A_198 = vector.shape_cast %get3A_197 : vector<1x16xi32> to vector<16xi32>
          %add3A_199 = arith.constant 11 : i32
          %add3A_200 = arith.addi %mul3A_133, %add3A_199 : i32
          %get3A_201 = arith.index_cast %add3A_200 : i32 to index
          %get3A_202 = arith.constant 0 : index
          %get3A_203 = tpu.vector_load %arg17[%get3A_201, %get3A_202] {strides = array<i32>} : memref<64x16xi32, #tpu.memory_space<vmem>>, vector<1x16xi32>,
          %get3A_204 = vector.shape_cast %get3A_203 : vector<1x16xi32> to vector<16xi32>
          %add3A_205 = arith.constant 12 : i32
          %add3A_206 = arith.addi %mul3A_133, %add3A_205 : i32
          %get3A_207 = arith.index_cast %add3A_206 : i32 to index
          %get3A_208 = arith.constant 0 : index
          %get3A_209 = tpu.vector_load %arg17[%get3A_207, %get3A_208] {strides = array<i32>} : memref<64x16xi32, #tpu.memory_space<vmem>>, vector<1x16xi32>,
          %get3A_210 = vector.shape_cast %get3A_209 : vector<1x16xi32> to vector<16xi32>
          %add3A_211 = arith.constant 13 : i32
          %add3A_212 = arith.addi %mul3A_133, %add3A_211 : i32
          %get3A_213 = arith.index_cast %add3A_212 : i32 to index
          %get3A_214 = arith.constant 0 : index
          %get3A_215 = tpu.vector_load %arg17[%get3A_213, %get3A_214] {strides = array<i32>} : memref<64x16xi32, #tpu.memory_space<vmem>>, vector<1x16xi32>,
          %get3A_216 = vector.shape_cast %get3A_215 : vector<1x16xi32> to vector<16xi32>
          %add3A_217 = arith.constant 14 : i32
          %add3A_218 = arith.addi %mul3A_133, %add3A_217 : i32
          %get3A_219 = arith.index_cast %add3A_218 : i32 to index
          %get3A_220 = arith.constant 0 : index
          %get3A_221 = tpu.vector_load %arg17[%get3A_219, %get3A_220] {strides = array<i32>} : memref<64x16xi32, #tpu.memory_space<vmem>>, vector<1x16xi32>,
          %get3A_222 = vector.shape_cast %get3A_221 : vector<1x16xi32> to vector<16xi32>
          %add3A_223 = arith.constant 15 : i32
          %add3A_224 = arith.addi %mul3A_133, %add3A_223 : i32
          %get3A_225 = arith.index_cast %add3A_224 : i32 to index
          %get3A_226 = arith.constant 0 : index
          %get3A_227 = tpu.vector_load %arg17[%get3A_225, %get3A_226] {strides = array<i32>} : memref<64x16xi32, #tpu.memory_space<vmem>>, vector<1x16xi32>,
          %get3A_228 = vector.shape_cast %get3A_227 : vector<1x16xi32> to vector<16xi32>
          %scan3A_229 = arith.constant 0 : i32
          %scan3A_230 = arith.constant 8 : i32
          %scan3A_231 = arith.addi %scan3A_229, %scan3A_230 : i32
          %scan3A_232 = arith.constant 1 : i32
          %scan3A_233:16 = scf.for %scan3A_346 = %scan3A_229 to %scan3A_231 step %scan3A_232 iter_args(%scan3A_347 = %get3A_138, %scan3A_348 = %get3A_144, %scan3A_349 = %get3A_150, %scan3A_350 = %get3A_156, %scan3A_351 = %get3A_162, %scan3A_352 = %get3A_168, %scan3A_353 = %get3A_174, %scan3A_354 = %get3A_180, %scan3A_355 = %get3A_186, %scan3A_356 = %get3A_192, %scan3A_357 = %get3A_198, %scan3A_358 = %get3A_204, %scan3A_359 = %get3A_210, %scan3A_360 = %get3A_216, %scan3A_361 = %get3A_222, %scan3A_362 = %get3A_228) -> (vector<16xi32>, vector<16xi32>, vector<16xi32>, vector<16xi32>, vector<16xi32>, vector<16xi32>, vector<16xi32>, vector<16xi32>, vector<16xi32>, vector<16xi32>, vector<16xi32>, vector<16xi32>, vector<16xi32>, vector<16xi32>, vector<16xi32>, vector<16xi32>)  : i32 {
            %mul3A_363 = arith.constant 16 : i32
            %mul3A_364 = arith.muli %scan3A_346, %mul3A_363 : i32
            %get3A_365 = arith.index_cast %mul3A_364 : i32 to index
            %get3A_366 = tpu.vector_load %arg12[%get3A_365] {strides = array<i32>} : memref<128xi32, #tpu.memory_space<vmem>>, vector<16xi32>,
            %get3A_367 = vector.shape_cast %get3A_366 : vector<16xi32> to vector<16xi32>
            %add3A_368 = arith.constant 0 : i32
            %add3A_369 = arith.addi %mul3A_133, %add3A_368 : i32
            %eq3A_370 = vector.broadcast %add3A_369 : i32 to vector<16xi32>
            %eq3A_371 = arith.cmpi eq, %get3A_367, %eq3A_370 : vector<16xi32>
            %jit3A = arith.constant 1 : i32
            %jit3A_372 = arith.constant 0 : i32
            %broadcast_in_dim3A_373 = vector.broadcast %jit3A : i32 to vector<16xi32>
            %broadcast_in_dim3A_374 = vector.broadcast %jit3A_372 : i32 to vector<16xi32>
            %select_n3A = arith.select %eq3A_371, %broadcast_in_dim3A_373, %broadcast_in_dim3A_374 : vector<16xi1>, vector<16xi32>
            %add3A_375 = arith.addi %scan3A_347, %select_n3A : vector<16xi32>
            %add3A_376 = arith.constant 1 : i32
            %add3A_377 = arith.addi %mul3A_133, %add3A_376 : i32
            %eq3A_378 = vector.broadcast %add3A_377 : i32 to vector<16xi32>
            %eq3A_379 = arith.cmpi eq, %get3A_367, %eq3A_378 : vector<16xi32>
            %jit3A_380 = arith.constant 1 : i32
            %jit3A_381 = arith.constant 0 : i32
            %broadcast_in_dim3A_382 = vector.broadcast %jit3A_380 : i32 to vector<16xi32>
            %broadcast_in_dim3A_383 = vector.broadcast %jit3A_381 : i32 to vector<16xi32>
            %select_n3A_384 = arith.select %eq3A_379, %broadcast_in_dim3A_382, %broadcast_in_dim3A_383 : vector<16xi1>, vector<16xi32>
            %add3A_385 = arith.addi %scan3A_348, %select_n3A_384 : vector<16xi32>
            %add3A_386 = arith.constant 2 : i32
            %add3A_387 = arith.addi %mul3A_133, %add3A_386 : i32
            %eq3A_388 = vector.broadcast %add3A_387 : i32 to vector<16xi32>
            %eq3A_389 = arith.cmpi eq, %get3A_367, %eq3A_388 : vector<16xi32>
            %jit3A_390 = arith.constant 1 : i32
            %jit3A_391 = arith.constant 0 : i32
            %broadcast_in_dim3A_392 = vector.broadcast %jit3A_390 : i32 to vector<16xi32>
            %broadcast_in_dim3A_393 = vector.broadcast %jit3A_391 : i32 to vector<16xi32>
            %select_n3A_394 = arith.select %eq3A_389, %broadcast_in_dim3A_392, %broadcast_in_dim3A_393 : vector<16xi1>, vector<16xi32>
            %add3A_395 = arith.addi %scan3A_349, %select_n3A_394 : vector<16xi32>
            %add3A_396 = arith.constant 3 : i32
            %add3A_397 = arith.addi %mul3A_133, %add3A_396 : i32
            %eq3A_398 = vector.broadcast %add3A_397 : i32 to vector<16xi32>
            %eq3A_399 = arith.cmpi eq, %get3A_367, %eq3A_398 : vector<16xi32>
            %jit3A_400 = arith.constant 1 : i32
            %jit3A_401 = arith.constant 0 : i32
            %broadcast_in_dim3A_402 = vector.broadcast %jit3A_400 : i32 to vector<16xi32>
            %broadcast_in_dim3A_403 = vector.broadcast %jit3A_401 : i32 to vector<16xi32>
            %select_n3A_404 = arith.select %eq3A_399, %broadcast_in_dim3A_402, %broadcast_in_dim3A_403 : vector<16xi1>, vector<16xi32>
            %add3A_405 = arith.addi %scan3A_350, %select_n3A_404 : vector<16xi32>
            %add3A_406 = arith.constant 4 : i32
            %add3A_407 = arith.addi %mul3A_133, %add3A_406 : i32
            %eq3A_408 = vector.broadcast %add3A_407 : i32 to vector<16xi32>
            %eq3A_409 = arith.cmpi eq, %get3A_367, %eq3A_408 : vector<16xi32>
            %jit3A_410 = arith.constant 1 : i32
            %jit3A_411 = arith.constant 0 : i32
            %broadcast_in_dim3A_412 = vector.broadcast %jit3A_410 : i32 to vector<16xi32>
            %broadcast_in_dim3A_413 = vector.broadcast %jit3A_411 : i32 to vector<16xi32>
            %select_n3A_414 = arith.select %eq3A_409, %broadcast_in_dim3A_412, %broadcast_in_dim3A_413 : vector<16xi1>, vector<16xi32>
            %add3A_415 = arith.addi %scan3A_351, %select_n3A_414 : vector<16xi32>
            %add3A_416 = arith.constant 5 : i32
            %add3A_417 = arith.addi %mul3A_133, %add3A_416 : i32
            %eq3A_418 = vector.broadcast %add3A_417 : i32 to vector<16xi32>
            %eq3A_419 = arith.cmpi eq, %get3A_367, %eq3A_418 : vector<16xi32>
            %jit3A_420 = arith.constant 1 : i32
            %jit3A_421 = arith.constant 0 : i32
            %broadcast_in_dim3A_422 = vector.broadcast %jit3A_420 : i32 to vector<16xi32>
            %broadcast_in_dim3A_423 = vector.broadcast %jit3A_421 : i32 to vector<16xi32>
            %select_n3A_424 = arith.select %eq3A_419, %broadcast_in_dim3A_422, %broadcast_in_dim3A_423 : vector<16xi1>, vector<16xi32>
            %add3A_425 = arith.addi %scan3A_352, %select_n3A_424 : vector<16xi32>
            %add3A_426 = arith.constant 6 : i32
            %add3A_427 = arith.addi %mul3A_133, %add3A_426 : i32
            %eq3A_428 = vector.broadcast %add3A_427 : i32 to vector<16xi32>
            %eq3A_429 = arith.cmpi eq, %get3A_367, %eq3A_428 : vector<16xi32>
            %jit3A_430 = arith.constant 1 : i32
            %jit3A_431 = arith.constant 0 : i32
            %broadcast_in_dim3A_432 = vector.broadcast %jit3A_430 : i32 to vector<16xi32>
            %broadcast_in_dim3A_433 = vector.broadcast %jit3A_431 : i32 to vector<16xi32>
            %select_n3A_434 = arith.select %eq3A_429, %broadcast_in_dim3A_432, %broadcast_in_dim3A_433 : vector<16xi1>, vector<16xi32>
            %add3A_435 = arith.addi %scan3A_353, %select_n3A_434 : vector<16xi32>
            %add3A_436 = arith.constant 7 : i32
            %add3A_437 = arith.addi %mul3A_133, %add3A_436 : i32
            %eq3A_438 = vector.broadcast %add3A_437 : i32 to vector<16xi32>
            %eq3A_439 = arith.cmpi eq, %get3A_367, %eq3A_438 : vector<16xi32>
            %jit3A_440 = arith.constant 1 : i32
            %jit3A_441 = arith.constant 0 : i32
            %broadcast_in_dim3A_442 = vector.broadcast %jit3A_440 : i32 to vector<16xi32>
            %broadcast_in_dim3A_443 = vector.broadcast %jit3A_441 : i32 to vector<16xi32>
            %select_n3A_444 = arith.select %eq3A_439, %broadcast_in_dim3A_442, %broadcast_in_dim3A_443 : vector<16xi1>, vector<16xi32>
            %add3A_445 = arith.addi %scan3A_354, %select_n3A_444 : vector<16xi32>
            %add3A_446 = arith.constant 8 : i32
            %add3A_447 = arith.addi %mul3A_133, %add3A_446 : i32
            %eq3A_448 = vector.broadcast %add3A_447 : i32 to vector<16xi32>
            %eq3A_449 = arith.cmpi eq, %get3A_367, %eq3A_448 : vector<16xi32>
            %jit3A_450 = arith.constant 1 : i32
            %jit3A_451 = arith.constant 0 : i32
            %broadcast_in_dim3A_452 = vector.broadcast %jit3A_450 : i32 to vector<16xi32>
            %broadcast_in_dim3A_453 = vector.broadcast %jit3A_451 : i32 to vector<16xi32>
            %select_n3A_454 = arith.select %eq3A_449, %broadcast_in_dim3A_452, %broadcast_in_dim3A_453 : vector<16xi1>, vector<16xi32>
            %add3A_455 = arith.addi %scan3A_355, %select_n3A_454 : vector<16xi32>
            %add3A_456 = arith.constant 9 : i32
            %add3A_457 = arith.addi %mul3A_133, %add3A_456 : i32
            %eq3A_458 = vector.broadcast %add3A_457 : i32 to vector<16xi32>
            %eq3A_459 = arith.cmpi eq, %get3A_367, %eq3A_458 : vector<16xi32>
            %jit3A_460 = arith.constant 1 : i32
            %jit3A_461 = arith.constant 0 : i32
            %broadcast_in_dim3A_462 = vector.broadcast %jit3A_460 : i32 to vector<16xi32>
            %broadcast_in_dim3A_463 = vector.broadcast %jit3A_461 : i32 to vector<16xi32>
            %select_n3A_464 = arith.select %eq3A_459, %broadcast_in_dim3A_462, %broadcast_in_dim3A_463 : vector<16xi1>, vector<16xi32>
            %add3A_465 = arith.addi %scan3A_356, %select_n3A_464 : vector<16xi32>
            %add3A_466 = arith.constant 10 : i32
            %add3A_467 = arith.addi %mul3A_133, %add3A_466 : i32
            %eq3A_468 = vector.broadcast %add3A_467 : i32 to vector<16xi32>
            %eq3A_469 = arith.cmpi eq, %get3A_367, %eq3A_468 : vector<16xi32>
            %jit3A_470 = arith.constant 1 : i32
            %jit3A_471 = arith.constant 0 : i32
            %broadcast_in_dim3A_472 = vector.broadcast %jit3A_470 : i32 to vector<16xi32>
            %broadcast_in_dim3A_473 = vector.broadcast %jit3A_471 : i32 to vector<16xi32>
            %select_n3A_474 = arith.select %eq3A_469, %broadcast_in_dim3A_472, %broadcast_in_dim3A_473 : vector<16xi1>, vector<16xi32>
            %add3A_475 = arith.addi %scan3A_357, %select_n3A_474 : vector<16xi32>
            %add3A_476 = arith.constant 11 : i32
            %add3A_477 = arith.addi %mul3A_133, %add3A_476 : i32
            %eq3A_478 = vector.broadcast %add3A_477 : i32 to vector<16xi32>
            %eq3A_479 = arith.cmpi eq, %get3A_367, %eq3A_478 : vector<16xi32>
            %jit3A_480 = arith.constant 1 : i32
            %jit3A_481 = arith.constant 0 : i32
            %broadcast_in_dim3A_482 = vector.broadcast %jit3A_480 : i32 to vector<16xi32>
            %broadcast_in_dim3A_483 = vector.broadcast %jit3A_481 : i32 to vector<16xi32>
            %select_n3A_484 = arith.select %eq3A_479, %broadcast_in_dim3A_482, %broadcast_in_dim3A_483 : vector<16xi1>, vector<16xi32>
            %add3A_485 = arith.addi %scan3A_358, %select_n3A_484 : vector<16xi32>
            %add3A_486 = arith.constant 12 : i32
            %add3A_487 = arith.addi %mul3A_133, %add3A_486 : i32
            %eq3A_488 = vector.broadcast %add3A_487 : i32 to vector<16xi32>
            %eq3A_489 = arith.cmpi eq, %get3A_367, %eq3A_488 : vector<16xi32>
            %jit3A_490 = arith.constant 1 : i32
            %jit3A_491 = arith.constant 0 : i32
            %broadcast_in_dim3A_492 = vector.broadcast %jit3A_490 : i32 to vector<16xi32>
            %broadcast_in_dim3A_493 = vector.broadcast %jit3A_491 : i32 to vector<16xi32>
            %select_n3A_494 = arith.select %eq3A_489, %broadcast_in_dim3A_492, %broadcast_in_dim3A_493 : vector<16xi1>, vector<16xi32>
            %add3A_495 = arith.addi %scan3A_359, %select_n3A_494 : vector<16xi32>
            %add3A_496 = arith.constant 13 : i32
            %add3A_497 = arith.addi %mul3A_133, %add3A_496 : i32
            %eq3A_498 = vector.broadcast %add3A_497 : i32 to vector<16xi32>
            %eq3A_499 = arith.cmpi eq, %get3A_367, %eq3A_498 : vector<16xi32>
            %jit3A_500 = arith.constant 1 : i32
            %jit3A_501 = arith.constant 0 : i32
            %broadcast_in_dim3A_502 = vector.broadcast %jit3A_500 : i32 to vector<16xi32>
            %broadcast_in_dim3A_503 = vector.broadcast %jit3A_501 : i32 to vector<16xi32>
            %select_n3A_504 = arith.select %eq3A_499, %broadcast_in_dim3A_502, %broadcast_in_dim3A_503 : vector<16xi1>, vector<16xi32>
            %add3A_505 = arith.addi %scan3A_360, %select_n3A_504 : vector<16xi32>
            %add3A_506 = arith.constant 14 : i32
            %add3A_507 = arith.addi %mul3A_133, %add3A_506 : i32
            %eq3A_508 = vector.broadcast %add3A_507 : i32 to vector<16xi32>
            %eq3A_509 = arith.cmpi eq, %get3A_367, %eq3A_508 : vector<16xi32>
            %jit3A_510 = arith.constant 1 : i32
            %jit3A_511 = arith.constant 0 : i32
            %broadcast_in_dim3A_512 = vector.broadcast %jit3A_510 : i32 to vector<16xi32>
            %broadcast_in_dim3A_513 = vector.broadcast %jit3A_511 : i32 to vector<16xi32>
            %select_n3A_514 = arith.select %eq3A_509, %broadcast_in_dim3A_512, %broadcast_in_dim3A_513 : vector<16xi1>, vector<16xi32>
            %add3A_515 = arith.addi %scan3A_361, %select_n3A_514 : vector<16xi32>
            %add3A_516 = arith.constant 15 : i32
            %add3A_517 = arith.addi %mul3A_133, %add3A_516 : i32
            %eq3A_518 = vector.broadcast %add3A_517 : i32 to vector<16xi32>
            %eq3A_519 = arith.cmpi eq, %get3A_367, %eq3A_518 : vector<16xi32>
            %jit3A_520 = arith.constant 1 : i32
            %jit3A_521 = arith.constant 0 : i32
            %broadcast_in_dim3A_522 = vector.broadcast %jit3A_520 : i32 to vector<16xi32>
            %broadcast_in_dim3A_523 = vector.broadcast %jit3A_521 : i32 to vector<16xi32>
            %select_n3A_524 = arith.select %eq3A_519, %broadcast_in_dim3A_522, %broadcast_in_dim3A_523 : vector<16xi1>, vector<16xi32>
            %add3A_525 = arith.addi %scan3A_362, %select_n3A_524 : vector<16xi32>
            scf.yield %add3A_375, %add3A_385, %add3A_395, %add3A_405, %add3A_415, %add3A_425, %add3A_435, %add3A_445, %add3A_455, %add3A_465, %add3A_475, %add3A_485, %add3A_495, %add3A_505, %add3A_515, %add3A_525 : vector<16xi32>, vector<16xi32>, vector<16xi32>, vector<16xi32>, vector<16xi32>, vector<16xi32>, vector<16xi32>, vector<16xi32>, vector<16xi32>, vector<16xi32>, vector<16xi32>, vector<16xi32>, vector<16xi32>, vector<16xi32>, vector<16xi32>, vector<16xi32>
          }
          %scan3A_234 = arith.constant 8 : i32
          %add3A_235 = arith.constant 0 : i32
          %add3A_236 = arith.addi %mul3A_133, %add3A_235 : i32
          %swap3A = arith.index_cast %add3A_236 : i32 to index
          %swap3A_237 = arith.constant 0 : index
          %swap3A_238 = tpu.vector_load %arg17[%swap3A, %swap3A_237] {strides = array<i32>} : memref<64x16xi32, #tpu.memory_space<vmem>>, vector<1x16xi32>,
          %swap3A_239 = vector.shape_cast %swap3A_238 : vector<1x16xi32> to vector<16xi32>
          %swap3A_240 = vector.shape_cast %scan3A_233#0 : vector<16xi32> to vector<1x16xi32>
          tpu.vector_store %arg17[%swap3A, %swap3A_237], %swap3A_240 {strides = array<i32>} : memref<64x16xi32, #tpu.memory_space<vmem>>, vector<1x16xi32>,
          %add3A_241 = arith.constant 1 : i32
          %add3A_242 = arith.addi %mul3A_133, %add3A_241 : i32
          %swap3A_243 = arith.index_cast %add3A_242 : i32 to index
          %swap3A_244 = arith.constant 0 : index
          %swap3A_245 = tpu.vector_load %arg17[%swap3A_243, %swap3A_244] {strides = array<i32>} : memref<64x16xi32, #tpu.memory_space<vmem>>, vector<1x16xi32>,
          %swap3A_246 = vector.shape_cast %swap3A_245 : vector<1x16xi32> to vector<16xi32>
          %swap3A_247 = vector.shape_cast %scan3A_233#1 : vector<16xi32> to vector<1x16xi32>
          tpu.vector_store %arg17[%swap3A_243, %swap3A_244], %swap3A_247 {strides = array<i32>} : memref<64x16xi32, #tpu.memory_space<vmem>>, vector<1x16xi32>,
          %add3A_248 = arith.constant 2 : i32
          %add3A_249 = arith.addi %mul3A_133, %add3A_248 : i32
          %swap3A_250 = arith.index_cast %add3A_249 : i32 to index
          %swap3A_251 = arith.constant 0 : index
          %swap3A_252 = tpu.vector_load %arg17[%swap3A_250, %swap3A_251] {strides = array<i32>} : memref<64x16xi32, #tpu.memory_space<vmem>>, vector<1x16xi32>,
          %swap3A_253 = vector.shape_cast %swap3A_252 : vector<1x16xi32> to vector<16xi32>
          %swap3A_254 = vector.shape_cast %scan3A_233#2 : vector<16xi32> to vector<1x16xi32>
          tpu.vector_store %arg17[%swap3A_250, %swap3A_251], %swap3A_254 {strides = array<i32>} : memref<64x16xi32, #tpu.memory_space<vmem>>, vector<1x16xi32>,
          %add3A_255 = arith.constant 3 : i32
          %add3A_256 = arith.addi %mul3A_133, %add3A_255 : i32
          %swap3A_257 = arith.index_cast %add3A_256 : i32 to index
          %swap3A_258 = arith.constant 0 : index
          %swap3A_259 = tpu.vector_load %arg17[%swap3A_257, %swap3A_258] {strides = array<i32>} : memref<64x16xi32, #tpu.memory_space<vmem>>, vector<1x16xi32>,
          %swap3A_260 = vector.shape_cast %swap3A_259 : vector<1x16xi32> to vector<16xi32>
          %swap3A_261 = vector.shape_cast %scan3A_233#3 : vector<16xi32> to vector<1x16xi32>
          tpu.vector_store %arg17[%swap3A_257, %swap3A_258], %swap3A_261 {strides = array<i32>} : memref<64x16xi32, #tpu.memory_space<vmem>>, vector<1x16xi32>,
          %add3A_262 = arith.constant 4 : i32
          %add3A_263 = arith.addi %mul3A_133, %add3A_262 : i32
          %swap3A_264 = arith.index_cast %add3A_263 : i32 to index
          %swap3A_265 = arith.constant 0 : index
          %swap3A_266 = tpu.vector_load %arg17[%swap3A_264, %swap3A_265] {strides = array<i32>} : memref<64x16xi32, #tpu.memory_space<vmem>>, vector<1x16xi32>,
          %swap3A_267 = vector.shape_cast %swap3A_266 : vector<1x16xi32> to vector<16xi32>
          %swap3A_268 = vector.shape_cast %scan3A_233#4 : vector<16xi32> to vector<1x16xi32>
          tpu.vector_store %arg17[%swap3A_264, %swap3A_265], %swap3A_268 {strides = array<i32>} : memref<64x16xi32, #tpu.memory_space<vmem>>, vector<1x16xi32>,
          %add3A_269 = arith.constant 5 : i32
          %add3A_270 = arith.addi %mul3A_133, %add3A_269 : i32
          %swap3A_271 = arith.index_cast %add3A_270 : i32 to index
          %swap3A_272 = arith.constant 0 : index
          %swap3A_273 = tpu.vector_load %arg17[%swap3A_271, %swap3A_272] {strides = array<i32>} : memref<64x16xi32, #tpu.memory_space<vmem>>, vector<1x16xi32>,
          %swap3A_274 = vector.shape_cast %swap3A_273 : vector<1x16xi32> to vector<16xi32>
          %swap3A_275 = vector.shape_cast %scan3A_233#5 : vector<16xi32> to vector<1x16xi32>
          tpu.vector_store %arg17[%swap3A_271, %swap3A_272], %swap3A_275 {strides = array<i32>} : memref<64x16xi32, #tpu.memory_space<vmem>>, vector<1x16xi32>,
          %add3A_276 = arith.constant 6 : i32
          %add3A_277 = arith.addi %mul3A_133, %add3A_276 : i32
          %swap3A_278 = arith.index_cast %add3A_277 : i32 to index
          %swap3A_279 = arith.constant 0 : index
          %swap3A_280 = tpu.vector_load %arg17[%swap3A_278, %swap3A_279] {strides = array<i32>} : memref<64x16xi32, #tpu.memory_space<vmem>>, vector<1x16xi32>,
          %swap3A_281 = vector.shape_cast %swap3A_280 : vector<1x16xi32> to vector<16xi32>
          %swap3A_282 = vector.shape_cast %scan3A_233#6 : vector<16xi32> to vector<1x16xi32>
          tpu.vector_store %arg17[%swap3A_278, %swap3A_279], %swap3A_282 {strides = array<i32>} : memref<64x16xi32, #tpu.memory_space<vmem>>, vector<1x16xi32>,
          %add3A_283 = arith.constant 7 : i32
          %add3A_284 = arith.addi %mul3A_133, %add3A_283 : i32
          %swap3A_285 = arith.index_cast %add3A_284 : i32 to index
          %swap3A_286 = arith.constant 0 : index
          %swap3A_287 = tpu.vector_load %arg17[%swap3A_285, %swap3A_286] {strides = array<i32>} : memref<64x16xi32, #tpu.memory_space<vmem>>, vector<1x16xi32>,
          %swap3A_288 = vector.shape_cast %swap3A_287 : vector<1x16xi32> to vector<16xi32>
          %swap3A_289 = vector.shape_cast %scan3A_233#7 : vector<16xi32> to vector<1x16xi32>
          tpu.vector_store %arg17[%swap3A_285, %swap3A_286], %swap3A_289 {strides = array<i32>} : memref<64x16xi32, #tpu.memory_space<vmem>>, vector<1x16xi32>,
          %add3A_290 = arith.constant 8 : i32
          %add3A_291 = arith.addi %mul3A_133, %add3A_290 : i32
          %swap3A_292 = arith.index_cast %add3A_291 : i32 to index
          %swap3A_293 = arith.constant 0 : index
          %swap3A_294 = tpu.vector_load %arg17[%swap3A_292, %swap3A_293] {strides = array<i32>} : memref<64x16xi32, #tpu.memory_space<vmem>>, vector<1x16xi32>,
          %swap3A_295 = vector.shape_cast %swap3A_294 : vector<1x16xi32> to vector<16xi32>
          %swap3A_296 = vector.shape_cast %scan3A_233#8 : vector<16xi32> to vector<1x16xi32>
          tpu.vector_store %arg17[%swap3A_292, %swap3A_293], %swap3A_296 {strides = array<i32>} : memref<64x16xi32, #tpu.memory_space<vmem>>, vector<1x16xi32>,
          %add3A_297 = arith.constant 9 : i32
          %add3A_298 = arith.addi %mul3A_133, %add3A_297 : i32
          %swap3A_299 = arith.index_cast %add3A_298 : i32 to index
          %swap3A_300 = arith.constant 0 : index
          %swap3A_301 = tpu.vector_load %arg17[%swap3A_299, %swap3A_300] {strides = array<i32>} : memref<64x16xi32, #tpu.memory_space<vmem>>, vector<1x16xi32>,
          %swap3A_302 = vector.shape_cast %swap3A_301 : vector<1x16xi32> to vector<16xi32>
          %swap3A_303 = vector.shape_cast %scan3A_233#9 : vector<16xi32> to vector<1x16xi32>
          tpu.vector_store %arg17[%swap3A_299, %swap3A_300], %swap3A_303 {strides = array<i32>} : memref<64x16xi32, #tpu.memory_space<vmem>>, vector<1x16xi32>,
          %add3A_304 = arith.constant 10 : i32
          %add3A_305 = arith.addi %mul3A_133, %add3A_304 : i32
          %swap3A_306 = arith.index_cast %add3A_305 : i32 to index
          %swap3A_307 = arith.constant 0 : index
          %swap3A_308 = tpu.vector_load %arg17[%swap3A_306, %swap3A_307] {strides = array<i32>} : memref<64x16xi32, #tpu.memory_space<vmem>>, vector<1x16xi32>,
          %swap3A_309 = vector.shape_cast %swap3A_308 : vector<1x16xi32> to vector<16xi32>
          %swap3A_310 = vector.shape_cast %scan3A_233#10 : vector<16xi32> to vector<1x16xi32>
          tpu.vector_store %arg17[%swap3A_306, %swap3A_307], %swap3A_310 {strides = array<i32>} : memref<64x16xi32, #tpu.memory_space<vmem>>, vector<1x16xi32>,
          %add3A_311 = arith.constant 11 : i32
          %add3A_312 = arith.addi %mul3A_133, %add3A_311 : i32
          %swap3A_313 = arith.index_cast %add3A_312 : i32 to index
          %swap3A_314 = arith.constant 0 : index
          %swap3A_315 = tpu.vector_load %arg17[%swap3A_313, %swap3A_314] {strides = array<i32>} : memref<64x16xi32, #tpu.memory_space<vmem>>, vector<1x16xi32>,
          %swap3A_316 = vector.shape_cast %swap3A_315 : vector<1x16xi32> to vector<16xi32>
          %swap3A_317 = vector.shape_cast %scan3A_233#11 : vector<16xi32> to vector<1x16xi32>
          tpu.vector_store %arg17[%swap3A_313, %swap3A_314], %swap3A_317 {strides = array<i32>} : memref<64x16xi32, #tpu.memory_space<vmem>>, vector<1x16xi32>,
          %add3A_318 = arith.constant 12 : i32
          %add3A_319 = arith.addi %mul3A_133, %add3A_318 : i32
          %swap3A_320 = arith.index_cast %add3A_319 : i32 to index
          %swap3A_321 = arith.constant 0 : index
          %swap3A_322 = tpu.vector_load %arg17[%swap3A_320, %swap3A_321] {strides = array<i32>} : memref<64x16xi32, #tpu.memory_space<vmem>>, vector<1x16xi32>,
          %swap3A_323 = vector.shape_cast %swap3A_322 : vector<1x16xi32> to vector<16xi32>
          %swap3A_324 = vector.shape_cast %scan3A_233#12 : vector<16xi32> to vector<1x16xi32>
          tpu.vector_store %arg17[%swap3A_320, %swap3A_321], %swap3A_324 {strides = array<i32>} : memref<64x16xi32, #tpu.memory_space<vmem>>, vector<1x16xi32>,
          %add3A_325 = arith.constant 13 : i32
          %add3A_326 = arith.addi %mul3A_133, %add3A_325 : i32
          %swap3A_327 = arith.index_cast %add3A_326 : i32 to index
          %swap3A_328 = arith.constant 0 : index
          %swap3A_329 = tpu.vector_load %arg17[%swap3A_327, %swap3A_328] {strides = array<i32>} : memref<64x16xi32, #tpu.memory_space<vmem>>, vector<1x16xi32>,
          %swap3A_330 = vector.shape_cast %swap3A_329 : vector<1x16xi32> to vector<16xi32>
          %swap3A_331 = vector.shape_cast %scan3A_233#13 : vector<16xi32> to vector<1x16xi32>
          tpu.vector_store %arg17[%swap3A_327, %swap3A_328], %swap3A_331 {strides = array<i32>} : memref<64x16xi32, #tpu.memory_space<vmem>>, vector<1x16xi32>,
          %add3A_332 = arith.constant 14 : i32
          %add3A_333 = arith.addi %mul3A_133, %add3A_332 : i32
          %swap3A_334 = arith.index_cast %add3A_333 : i32 to index
          %swap3A_335 = arith.constant 0 : index
          %swap3A_336 = tpu.vector_load %arg17[%swap3A_334, %swap3A_335] {strides = array<i32>} : memref<64x16xi32, #tpu.memory_space<vmem>>, vector<1x16xi32>,
          %swap3A_337 = vector.shape_cast %swap3A_336 : vector<1x16xi32> to vector<16xi32>
          %swap3A_338 = vector.shape_cast %scan3A_233#14 : vector<16xi32> to vector<1x16xi32>
          tpu.vector_store %arg17[%swap3A_334, %swap3A_335], %swap3A_338 {strides = array<i32>} : memref<64x16xi32, #tpu.memory_space<vmem>>, vector<1x16xi32>,
          %add3A_339 = arith.constant 15 : i32
          %add3A_340 = arith.addi %mul3A_133, %add3A_339 : i32
          %swap3A_341 = arith.index_cast %add3A_340 : i32 to index
          %swap3A_342 = arith.constant 0 : index
          %swap3A_343 = tpu.vector_load %arg17[%swap3A_341, %swap3A_342] {strides = array<i32>} : memref<64x16xi32, #tpu.memory_space<vmem>>, vector<1x16xi32>,
          %swap3A_344 = vector.shape_cast %swap3A_343 : vector<1x16xi32> to vector<16xi32>
          %swap3A_345 = vector.shape_cast %scan3A_233#15 : vector<16xi32> to vector<1x16xi32>
          tpu.vector_store %arg17[%swap3A_341, %swap3A_342], %swap3A_345 {strides = array<i32>} : memref<64x16xi32, #tpu.memory_space<vmem>>, vector<1x16xi32>,
        }
        %scan3A_127 = arith.constant 4 : i32
        %dma_wait3A_128 = arith.constant 0 : i32
        %dma_wait3A_129 = arith.constant 0 : i32
        %dma_wait3A_130 = tpu.memref_slice %arg18[%dma_wait3A_128, %dma_wait3A_129] : memref<64x128xf32, #tpu.memory_space<vmem_shared>> -> memref<64x128xf32, #tpu.memory_space<vmem_shared>>
        tpu.wait_indirect_dma semaphore(%arg16 : memref<!tpu.dma_semaphore, #tpu.memory_space<semaphore_mem>>) src(%arg9 : memref<128x128xf32, #tpu.memory_space<vmem>>) dst(%dma_wait3A_130 : memref<64x128xf32, #tpu.memory_space<vmem_shared>>)
      } else {
      }
      %add3A_102 = arith.constant 96 : i32
      %add3A_103 = arith.addi %add3A_96, %add3A_102 : i32
      %lt3A_104 = arith.constant 2500 : i32
      %lt3A_105 = arith.cmpi slt, %add3A_103, %lt3A_104 : i32
      %convert_element_type3A_106 = arith.extui %lt3A_105 : i1 to i32
      %cond3A_107 = arith.constant 0 : i32
      %cond3A_108 = arith.cmpi ne, %convert_element_type3A_106, %cond3A_107 : i32
      scf.if %cond3A_108 {
        %mul3A_109 = arith.constant 128 : i32
        %mul3A_110 = arith.muli %add3A_103, %mul3A_109 : i32
        %dma_start3A = arith.constant 0 : i32
        %dma_start3A_111 = tpu.memref_slice %arg2[%mul3A_110, %dma_start3A] : memref<320000x128xf32, #tpu.memory_space<hbm>> -> memref<128x128xf32, #tpu.memory_space<hbm>>
        %dma_start3A_112 = arith.constant 0 : i32
        %dma_start3A_113 = tpu.memref_slice %arg2[%mul3A_110, %dma_start3A_112] : memref<320000x128xf32, #tpu.memory_space<hbm>> -> memref<128x128xf32, #tpu.memory_space<hbm>>
        tpu.enqueue_dma source(%dma_start3A_113 : memref<128x128xf32, #tpu.memory_space<hbm>>) target(%arg9 : memref<128x128xf32, #tpu.memory_space<vmem>>) target_semaphore(%arg15 : memref<!tpu.dma_semaphore, #tpu.memory_space<semaphore_mem>>)
        %dma_start3A_114 = arith.constant 0 : i32
        %dma_start3A_115 = tpu.memref_slice %arg3[%add3A_103, %dma_start3A_114] : memref<2500x128xi32, #tpu.memory_space<hbm>> -> memref<1x128xi32, #tpu.memory_space<hbm>>
        %dma_start3A_116 = tpu.memref_squeeze %dma_start3A_115 : memref<1x128xi32, #tpu.memory_space<hbm>> -> memref<128xi32, #tpu.memory_space<hbm>>
        %dma_start3A_117 = arith.constant 0 : i32
        %dma_start3A_118 = tpu.memref_slice %arg3[%add3A_103, %dma_start3A_117] : memref<2500x128xi32, #tpu.memory_space<hbm>> -> memref<1x128xi32, #tpu.memory_space<hbm>>
        %dma_start3A_119 = tpu.memref_squeeze %dma_start3A_118 : memref<1x128xi32, #tpu.memory_space<hbm>> -> memref<128xi32, #tpu.memory_space<hbm>>
        tpu.enqueue_dma source(%dma_start3A_119 : memref<128xi32, #tpu.memory_space<hbm>>) target(%arg12 : memref<128xi32, #tpu.memory_space<vmem>>) target_semaphore(%arg15 : memref<!tpu.dma_semaphore, #tpu.memory_space<semaphore_mem>>)
      } else {
      }
    }
    %scan3A_38 = arith.constant 18 : i32
    "tpu.region"() ({
      %run_scoped3A = tpu.sem_alloc : memref<!tpu.dma_semaphore, #tpu.memory_space<semaphore_mem>>
      %dma_start3A = arith.constant 0 : i32
      %dma_start3A_45 = arith.constant 0 : i32
      %dma_start3A_46 = tpu.memref_slice %arg6[%add3A, %dma_start3A, %dma_start3A_45] : memref<32x64x16xi32, #tpu.memory_space<hbm>> -> memref<1x64x16xi32, #tpu.memory_space<hbm>>
      %dma_start3A_47 = tpu.memref_squeeze %dma_start3A_46 : memref<1x64x16xi32, #tpu.memory_space<hbm>> -> memref<64x16xi32, #tpu.memory_space<hbm>>
      %dma_start3A_48 = arith.constant 0 : i32
      %dma_start3A_49 = arith.constant 0 : i32
      %dma_start3A_50 = tpu.memref_slice %arg6[%add3A, %dma_start3A_48, %dma_start3A_49] : memref<32x64x16xi32, #tpu.memory_space<hbm>> -> memref<1x64x16xi32, #tpu.memory_space<hbm>>
      %dma_start3A_51 = tpu.memref_squeeze %dma_start3A_50 : memref<1x64x16xi32, #tpu.memory_space<hbm>> -> memref<64x16xi32, #tpu.memory_space<hbm>>
      tpu.enqueue_dma source(%arg17 : memref<64x16xi32, #tpu.memory_space<vmem>>) target(%dma_start3A_51 : memref<64x16xi32, #tpu.memory_space<hbm>>) target_semaphore(%run_scoped3A : memref<!tpu.dma_semaphore, #tpu.memory_space<semaphore_mem>>)
      %dma_wait3A = arith.constant 0 : i32
      %dma_wait3A_52 = arith.constant 0 : i32
      %dma_wait3A_53 = tpu.memref_slice %arg6[%add3A, %dma_wait3A, %dma_wait3A_52] : memref<32x64x16xi32, #tpu.memory_space<hbm>> -> memref<1x64x16xi32, #tpu.memory_space<hbm>>
      %dma_wait3A_54 = tpu.memref_squeeze %dma_wait3A_53 : memref<1x64x16xi32, #tpu.memory_space<hbm>> -> memref<64x16xi32, #tpu.memory_space<hbm>>
      %dma_wait3A_55 = arith.constant 0 : i32
      %dma_wait3A_56 = arith.constant 0 : i32
      %dma_wait3A_57 = tpu.memref_slice %arg6[%add3A, %dma_wait3A_55, %dma_wait3A_56] : memref<32x64x16xi32, #tpu.memory_space<hbm>> -> memref<1x64x16xi32, #tpu.memory_space<hbm>>
      %dma_wait3A_58 = tpu.memref_squeeze %dma_wait3A_57 : memref<1x64x16xi32, #tpu.memory_space<hbm>> -> memref<64x16xi32, #tpu.memory_space<hbm>>
      tpu.wait_dma2 semaphore(%run_scoped3A : memref<!tpu.dma_semaphore, #tpu.memory_space<semaphore_mem>>) src(%arg17 : memref<64x16xi32, #tpu.memory_space<vmem>>) dst(%dma_wait3A_58 : memref<64x16xi32, #tpu.memory_space<hbm>>)
      tpu.yield
    }) : () -> ()
    %barrier3A_39 = arith.constant 0 : index
    tpu.barrier barrier_id(%barrier3A_39)
    %eq3A_40 = arith.constant 0 : i32
    %eq3A_41 = arith.cmpi eq, %arg1, %eq3A_40 : i32
    %convert_element_type3A_42 = arith.extui %eq3A_41 : i1 to i32
    %cond3A_43 = arith.constant 0 : i32
    %cond3A_44 = arith.cmpi ne, %convert_element_type3A_42, %cond3A_43 : i32
    scf.if %cond3A_44 {
      "tpu.region"() ({
        %run_scoped3A = tpu.sem_alloc : memref<!tpu.dma_semaphore, #tpu.memory_space<semaphore_mem>>
        %dma_start3A = arith.constant 0 : i32
        %dma_start3A_45 = arith.constant 0 : i32
        %dma_start3A_46 = tpu.memref_slice %arg5[%arg0, %dma_start3A, %dma_start3A_45] : memref<2x64x128xf32, #tpu.memory_space<hbm>> -> memref<1x64x128xf32, #tpu.memory_space<hbm>>
        %dma_start3A_47 = tpu.memref_squeeze %dma_start3A_46 : memref<1x64x128xf32, #tpu.memory_space<hbm>> -> memref<64x128xf32, #tpu.memory_space<hbm>>
        tpu.enqueue_dma source(%arg18 : memref<64x128xf32, #tpu.memory_space<vmem_shared>>) target(%dma_start3A_47 : memref<64x128xf32, #tpu.memory_space<hbm>>) target_semaphore(%run_scoped3A : memref<!tpu.dma_semaphore, #tpu.memory_space<semaphore_mem>>)
        %dma_wait3A = arith.constant 0 : i32
        %dma_wait3A_48 = arith.constant 0 : i32
        %dma_wait3A_49 = tpu.memref_slice %arg5[%arg0, %dma_wait3A, %dma_wait3A_48] : memref<2x64x128xf32, #tpu.memory_space<hbm>> -> memref<1x64x128xf32, #tpu.memory_space<hbm>>
        %dma_wait3A_50 = tpu.memref_squeeze %dma_wait3A_49 : memref<1x64x128xf32, #tpu.memory_space<hbm>> -> memref<64x128xf32, #tpu.memory_space<hbm>>
        tpu.wait_dma2 semaphore(%run_scoped3A : memref<!tpu.dma_semaphore, #tpu.memory_space<semaphore_mem>>) src(%arg18 : memref<64x128xf32, #tpu.memory_space<vmem_shared>>) dst(%dma_wait3A_50 : memref<64x128xf32, #tpu.memory_space<hbm>>)
        tpu.yield
      }) : () -> ()
    } else {
    }
    return
  }
}

</mosaic_0001>

<sc_bundles>
// kernel: _sc_call.3.cloned.1.call-start
scs
__scs_entry_jumppad:
0x0: {  	(pc) =	sbr.rel $0x88, $3  }
0x1: {  	(tag) =	ssettag $0x0;
	lr =	simm.s32 $0x1  }
0x2: {  	[smem:$0x3F9E] =	sst lr;
	_ =	strace $0xD0000000  }
0x3: {  	_ = 	snop  }
0x4: {  	_ = 	snop  }
0x5: {  	_ = 	snop  }
0x6: {  	_ = 	snop  }
0x7: {  	_ = 	snop  }
__scs_overlays_trampoline_lowered:
0x8: {  	[smem:$0x3FAD] =	sst s0  }
0x9: {  	[smem:$0x3FAE] =	sst s1  }
0xa: {  	[smem:$0x3FAF] =	sst s2  }
0xb: {  	[smem:$0x3FB0] =	sst s3  }
0xc: {  	[smem:$0x3FB1] =	sst s4  }
0xd: {  	[smem:$0x3FB2] =	sst s5  }
0xe: {  	[smem:$0x3FB3] =	sst s6  }
0xf: {  	[smem:$0x3FB4] =	sst s7  }
0x10: {  	[smem:$0x3FB5] =	sst s8  }
0x11: {  	[smem:$0x3FB6] =	sst s9;
	s0 =	simm.s32 @!p0 $0x0  }
0x12: {  	s1 =	sld [smem:$0x3F9C];
	s0 =	simm.s32 @p0 $0x1  }
0x13: {  	[smem:$0x3FB7] =	sst s0;
	s0 =	simm.s32 @!p1 $0x0  }
0x14: {  	s2 =	sld [smem:$0x3F9B];
	s0 =	simm.s32 @p1 $0x1  }
0x15: {  	[smem:$0x3FB8] =	sst s0;
	s0 =	simm.s32 @!p2 $0x0  }
0x16: {  	s3 =	sld [smem:$0x3FDB];
	s0 =	simm.s32 @p2 $0x1  }
0x17: {  	s4 =	simm.s32 $0x1BF5;
	[smem:$0x3FBA] =	sst s0  }
0x18: {  	s0 =	sld [smem:$0x3F9D];
	_ =	swait.ge [sflag:s4], $0x0  }
0x19: {  	s7 =	sld [smem:$0x3F9E]  }
0x1a: {  	s8 =	sadd.s32 $0xFFFFE003, lr  }
0x1b: {  	s9 =	sadd.s32 $0xFFFFFEF7, lr;
	s5 =	simm.s32 $0xFFFFFFFF;
	p2 =	slt.u32 s8, $0xFFFFF086  }
0x1c: {  	p1 =	slt.u32 s9, $0xF7A;
	s5 =	simm.s32 @!p2 $0x0  }
0x1d: {  	s5 =	simm.s32 @p1 $0x1;
	p0 =	seq.s32 s7, s2  }
0x1e: {  	s7 =	smul.u32 @!p0 $0xF7A, s2;
	p2 =	seq.s32 @!p0 s5, $0x0  }
0x1f: {  	s9 =	smul.u32 $0xF7A, s1;
	s8 =	simm.s32 @!p0 $0x1BF5;
	p2 =	por !p2, p0  }
0x20: {  	[sflag:s8] =	ssyncset.s32 @!p0 $0xFFFFF086;
	s6 =	sadd.s32 @!p0 s3, s7;
	s7 =	simm.s32 @!p0 $0x108  }
0x21: {  	s3 =	sadd.s32 s3, s9;
	s6 =	sadd.s32 @!p0 $0x88, s6;
	s7 =	simm.s32 @p2 $0x1082  }
0x22: {  	[simem:s7], [sflag:s8] =	dma.local @!p0 [hbm:s6], $0xF7A  }
0x23: {  	s9 =	sor.u32 $0xD0000000, s2;
	s6 =	simm.s32 $0x108;
	_ =	swait.ge @!p0 [sflag:s8], $0x0  }
0x24: {  	s3 =	sadd.s32 $0x88, s3;
	s6 =	simm.s32 @!p1 $0x1082;
	[sflag:s4] =	ssyncset.s32 $0xFFFFF086  }
0x25: {  	[simem:s6], [sflag:s4] =	dma.local [hbm:s3], $0xF7A  }
0x26: {  	[smem:$0x3F9E] =	sst s1;
	(tag) =	ssettag s2;
	_ =	strace s9  }
0x27: {  	s1 =	sld [smem:$0x3FAE]  }
0x28: {  	s2 =	sld [smem:$0x3FAF]  }
0x29: {  	s4 =	sld [smem:$0x3FB1]  }
0x2a: {  	p0 =	seq.s32 s5, $0x0;
	s5 =	sld [smem:$0x3FB2]  }
0x2b: {  	s6 =	sld [smem:$0x3FB3]  }
0x2c: {  	s7 =	sld [smem:$0x3FB4]  }
0x2d: {  	s3 =	simm.s32 $0x108;
	s8 =	sld [smem:$0x3FB5]  }
0x2e: {  	s3 =	simm.s32 @!p0 $0x1082;
	s9 =	sld [smem:$0x3FB6]  }
0x2f: {  	lr =	sadd.s32 s0, s3;
	s0 =	sld [smem:$0x3FAD]  }
0x30: {  	s3 =	sld [smem:$0x3FB0]  }
0x31: {  	[smem:$0x3FB9] =	sst s10  }
0x32: {  	s10 =	sld [smem:$0x3FB7];
	_ =	sdelay $0x3  }
0x33: {  	p0 =	seq.s32 s10, $0x1;
	s10 =	sld [smem:$0x3FB9];
	_ =	sdelay $0x3  }
0x34: {  	[smem:$0x3FB9] =	sst s10  }
0x35: {  	s10 =	sld [smem:$0x3FB8];
	_ =	sdelay $0x3  }
0x36: {  	p1 =	seq.s32 s10, $0x1;
	s10 =	sld [smem:$0x3FB9];
	_ =	sdelay $0x3  }
0x37: {  	[smem:$0x3FB9] =	sst s10  }
0x38: {  	s10 =	sld [smem:$0x3FBA]  }
0x39: {  	_ = 	snop;
	(pc) =	sbr.ind lr, $3  }
0x3a: {  	_ = 	snop  }
0x3b: {  	_ = 	snop  }
0x3c: {  	p2 =	seq.s32 s10, $0x1;
	s10 =	sld [smem:$0x3FB9]  }
0x3d: {  	_ =	shalt  }
0x3e: {  	_ =	shalt  }
0x3f: {  	_ =	shalt  }
0x40: {  	_ =	shalt  }
0x41: {  	_ =	shalt  }
0x42: {  	_ =	shalt  }
0x43: {  	_ =	shalt  }
0x44: {  	_ =	shalt  }
0x45: {  	_ =	shalt  }
0x46: {  	_ =	shalt  }
0x47: {  	_ =	shalt  }
0x48: {  	_ =	shalt  }
0x49: {  	_ =	shalt  }
0x4a: {  	_ =	shalt  }
0x4b: {  	_ =	shalt  }
0x4c: {  	_ =	shalt  }
0x4d: {  	_ =	shalt  }
0x4e: {  	_ =	shalt  }
0x4f: {  	_ =	shalt  }
0x50: {  	_ =	shalt  }
0x51: {  	_ =	shalt  }
0x52: {  	_ =	shalt  }
0x53: {  	_ =	shalt  }
0x54: {  	_ =	shalt  }
0x55: {  	_ =	shalt  }
0x56: {  	_ =	shalt  }
0x57: {  	_ =	shalt  }
0x58: {  	_ =	shalt  }
0x59: {  	_ =	shalt  }
0x5a: {  	_ =	shalt  }
0x5b: {  	_ =	shalt  }
0x5c: {  	_ =	shalt  }
0x5d: {  	_ =	shalt  }
0x5e: {  	_ =	shalt  }
0x5f: {  	_ =	shalt  }
0x60: {  	_ =	shalt  }
0x61: {  	_ =	shalt  }
0x62: {  	_ =	shalt  }
0x63: {  	_ =	shalt  }
0x64: {  	_ =	shalt  }
0x65: {  	_ =	shalt  }
0x66: {  	_ =	shalt  }
0x67: {  	_ =	shalt  }
0x68: {  	_ =	shalt  }
0x69: {  	_ =	shalt  }
0x6a: {  	_ =	shalt  }
0x6b: {  	_ =	shalt  }
0x6c: {  	_ =	shalt  }
0x6d: {  	_ =	shalt  }
0x6e: {  	_ =	shalt  }
0x6f: {  	_ =	shalt  }
0x70: {  	_ =	shalt  }
0x71: {  	_ =	shalt  }
0x72: {  	_ =	shalt  }
0x73: {  	_ =	shalt  }
0x74: {  	_ =	shalt  }
0x75: {  	_ =	shalt  }
0x76: {  	_ =	shalt  }
0x77: {  	_ =	shalt  }
0x78: {  	_ =	shalt  }
0x79: {  	_ =	shalt  }
0x7a: {  	_ =	shalt  }
0x7b: {  	_ =	shalt  }
0x7c: {  	_ =	shalt  }
0x7d: {  	_ =	shalt  }
0x7e: {  	_ =	shalt  }
0x7f: {  	_ =	shalt  }
0x80: {  	_ =	shalt  }
0x81: {  	_ =	shalt  }
0x82: {  	_ =	shalt  }
0x83: {  	_ =	shalt  }
0x84: {  	_ =	shalt  }
0x85: {  	_ =	shalt  }
0x86: {  	_ =	shalt  }
0x87: {  	_ =	shalt  }
.Lfunc_end0:
.L_simem_size_0:
called_computation_lowered:
.L_overlay_start_0:
0x88: {  	s2 =	sld [smem:$0x3FD9]  }
0x89: {  	s3 =	sld [smem:$0x3FFE];
	_ =	sdelay $0x1  }
0x8a: {  	s1 =	srdreg.scid  }
0x8b: {  	s0 =	sand.u32 $0x1, s1  }
0x8c: {  	s14 =	sshll.u32 s0, $0xA;
	s2 =	sadd.s32 s3, s2  }
0x8d: {  	s2 =	sadd.s32 s2, s14  }
0x8e: {  	[smem:$0x3FC5] =	sst s2  }
0x8f: {  	_ = 	snop  }
0x90: {  	s2 =	sld [smem:$0x3FD0]  }
0x91: {  	s15 =	sld [smem:$0x3FC9]  }
0x92: {  	s4 =	sld [smem:$0x3FC8]  }
0x93: {  	s6 =	simm.s32 $0xA;
	s7 =	simm.s32 $0x10;
	s5 =	sld [smem:$0x3FC7]  }
0x94: {  	[smem:s7], [sflag:s6] =	dma.local [hbm:s2], $0x1  }
0x95: {  	_ =	swait.eq [sflag:s6], $0x1  }
0x96: {  	[sflag:s6] =	ssyncset.done $0x0  }
0x97: {  	[sflag:s6] =	ssyncadd.s32 $0xFFFFFFFF  }
0x98: {  	s16 =	sld [smem:$0x10];
	(tm) =	ssettm $0x1  }
0x99: {  	s17 =	sld [smem:$0x3FFB];
	_ =	sdelay $0x3  }
0x9a: {  	_ =	strace s17  }
0x9b: {  	s6 =	sld [smem:$0x3FFC];
	_ =	sdelay $0x3  }
0x9c: {  	_ =	strace s6  }
0x9d: {  	s6 =	sld [smem:$0x3FFD];
	_ =	sdelay $0x3  }
0x9e: {  	_ =	strace s6  }
0x9f: {  	_ =	strace $0x8FFFFFFF  }
0xa0: {  	s18 =	sld [smem:$0x3FDB];
	_ =	sdelay $0x1  }
0xa1: {  	s19 =	simm.s32 $_scs_section_size  }
0xa2: {  	s8 =	simm.s32 $_size__tile_overlayer_lowered;
	s9 =	simm.s32 $_tile_overlayer_lowered  }
0xa3: {  	s22 =	simm.s32 $0x1BFF;
	s21 =	sshll.u32 s9, $0x1;
	s6 =	sadd.s32 s19, s18  }
0xa4: {  	s10 =	simm.s32 $0x0;
	s20 =	sshll.u32 s8, $0x1;
	s8 =	sadd.s32 s21, s6  }
0xa5: {  	[timem:s10], [sflag:s22] =	dma.local [hbm:s8], s20  }
0xa6: {  	_ =	swait.ge [sflag:s22], s20  }
0xa7: {  	s7 =	ssub.s32 $0x0, s20;
	[sflag:s22] =	ssyncset.done $0x0  }
0xa8: {  	[sflag:s22] =	ssyncadd.s32 s7;
	_ =	sdelay $0x1  }
0xa9: {  	s23 =	simm.s32 $0x1B8B  }
0xaa: {  	_ =	swait.ge [sflag:s23], $0x1  }
0xab: {  	[sflag:s23] =	ssyncset.done $0x0  }
0xac: {  	s25 =	simm.s32 $0x1B8E;
	s24 =	sld [smem:$0x3FFE];
	[sflag:s23] =	ssyncadd.s32 $0xFFFFFFFF  }
0xad: {  	s26 =	simm.s32 $execute0_lowered;
	[smem:$0x3FD2] =	sst s25  }
0xae: {  	s8 =	sshll.u32 s26, $0x1;
	_ =	strace $0x80000046;
	[dreg:$0x1] =	wrdreg $0xFFFFFFFF  }
0xaf: {  	s28 =	simm.s32 $_size_execute0_lowered;
	s6 =	sadd.s32 s6, s8;
	[dreg:$0x0] =	wrdreg $0x0  }
0xb0: {  	s8 =	sshll.u32 s28, $0x1;
	[dreg:$0x2] =	wrdreg s6  }
0xb1: {  	[dreg:$0x3] =	wrdreg s8  }
0xb2: {  	[dreg:$0x4] =	wrdreg $0xC0  }
0xb3: {  	_ =	task [dreg:s10], $0x5FFFF  }
0xb4: {  	[dreg:$0x1] =	wrdreg $0xFFFFFFFF  }
0xb5: {  	[dreg:$0x0] =	wrdreg $0x60  }
0xb6: {  	[dreg:$0x2] =	wrdreg s15  }
0xb7: {  	[dreg:$0x3] =	wrdreg s4  }
0xb8: {  	[dreg:$0x4] =	wrdreg s5  }
0xb9: {  	[dreg:$0x5] =	wrdreg s16  }
0xba: {  	[dreg:$0x6] =	wrdreg s24  }
0xbb: {  	[dreg:$0x7] =	wrdreg $0xE1800  }
0xbc: {  	[dreg:$0x8] =	wrdreg $0x9  }
0xbd: {  	_ =	task.clear_ibuf [dreg:s10], $0x9FFFF;
	_ =	strace $0x90000046  }
0xbe: {  	s29 =	simm.s32 $0x9;
	_ =	strace $0x80000048  }
0xbf: {  	_ =	swait.ge [sflag:s29], $0x1  }
0xc0: {  	[sflag:s29] =	ssyncadd.s32 $0xFFFFFFFF  }
0xc1: {  	_ =	strace $0x90000048  }
0xc2: {  	_ =	sfence  }
0xc3: {  	s30 =	sld [smem:$0x0];
	_ =	sdelay $0x2  }
0xc4: {  	s31 =	sshll.u32 s1, $0xD;
	s1 =	sshrl.u32 s1, $0x2  }
0xc5: {  	s3 =	sand.u32 $0x4000, s31;
	s1 =	sadd.s32 s1, s30  }
0xc6: {  	s0 =	sor.u32 s3, s0;
	s1 =	sshll.u32 s1, $0x11  }
0xc7: {  	s0 =	sor.u32 s1, s0  }
0xc8: {  	s0 =	sadd.s32 $0x8F2B, s0  }
0xc9: {  	[sflag:s0] =	ssyncadd.remote.s32 $0x1  }
0xca: {  	_ =	sfence.sel $0xFFFF  }
0xcb: {  	[dreg:$0x0] =	wrdreg $0xFFFFFFFF;
	(pc) =	sbr.abs _section_cstart, $3  }
0xcc: {  	[dreg:$0x1] =	wrdreg $0xFFFFFFFF  }
0xcd: {  	_ =	task.clear_ibuf [dreg:s10], $0x2FFFF;
	_ =	strace $0x9FFFFFFF  }
0xce: {  	(tm) =	ssettm $0x7FFFFFFF  }
0xcf: {  	_ =	shalt  }
tec
execute0_lowered:
.L_overlay_start_1:
0x0: {  	(tag) =	ssettag $0x1  }
0x1: {  	s13 =	rddreg [dreg:$0x0]  }
0x2: {  	s0 =	rddreg [dreg:$0x1]  }
0x3: {  	s1 =	rddreg [dreg:$0x3]  }
0x4: {  	s2 =	rddreg [dreg:$0x4]  }
0x5: {  	s15 =	rddreg [dreg:$0x5]  }
0x6: {  	s3 =	srdreg.scid;
	s6 =	simm.s32 $0x0;
	s4 =	stileid.u32  }
0x7: {  	s28 =	simm.s32 $0x2;
	s29 =	simm.s32 $0x3;
	s3 =	sand.u32 $0x1, s3  }
0x8: {  	[smem:$0x7FF] =	sst s6;
	s9 =	sshll.u32 s4, $0x7;
	s24 =	sshll.u32 s4, $0x4  }
0x9: {  	p0 =	sne.s32 s4, $0x0;
	s5 =	sshll.u32 s3, $0x4;
	_ =	strace $0x80000047  }
0xa: {  	s25 =	ssub.s32 $0x2, s3;
	s11 =	sand.u32 $0x380, s9;
	s7 =	sor.u32 s4, s5  }
0xb: {  	s9 =	smov.u32 s15;
	s8 =	sshrl.u32 s25, $0x1;
	s5 =	sshll.u32 s7, $0xA  }
0xc: {  	s26 =	sadd.s32 $0x330, s7;
	s8 =	ssub.s32 s25, s8;
	s31 =	sadd.s32 $0x350, s7  }
0xd: {  	s18 =	sadd.s32 $0x370, s7;
	s25 =	sand.u32 $0x70, s24;
	s24 =	simm.s32 $0x1  }
0xe: {  	s2 =	sadd.s32 s5, s2;
	s30 =	sshll.u32 s26, $0x7;
	[dreg:$0x7] =	wrdreg s26  }
0xf: {  	s5 =	sshll.u32 s26, $0xB;
	s12 =	sshll.u32 s31, $0x7;
	[dreg:$0x8] =	wrdreg s31  }
0x10: {  	s19 =	sshll.u32 s31, $0xB;
	s20 =	sshll.u32 s18, $0x7;
	[dreg:$0xb] =	wrdreg s18  }
0x11: {  	s23 =	sshll.u32 s18, $0xB;
	s31 =	smax.u32 s8, $0x1;
	s10 =	sand.u32 $0x1BC00, s30  }
0x12: {  	s5 =	sadd.s32 s13, s5;
	s16 =	sand.u32 $0x1BC00, s12;
	s6 =	sadd.s32 s13, s19  }
0x13: {  	s22 =	sand.u32 $0x1FC00, s20;
	s30 =	sshll.u32 s3, $0xA;
	[dreg:$0x12] =	wrdreg s31  }
0x14: {  	s2 =	sadd.s32 $0x800, s2;
	s10 =	sor.u32 s11, s10;
	[dreg:$0x9] =	wrdreg s5  }
0x15: {  	[dreg:$0xc] =	wrdreg s6;
	s7 =	sor.u32 s11, s22;
	s5 =	sadd.s32 s13, s23  }
0x16: {  	[dreg:$0x10] =	wrdreg s2;
	s2 =	sshrl.u32 @!p0 s15, $0x3;
	s14 =	sshrl.u32 s10, $0x3  }
0x17: {  	s10 =	sor.u32 s11, s16;
	[dreg:$0xe] =	wrdreg s5;
	s7 =	sshrl.u32 s7, $0x3  }
.Ltmp0:
0x18: {  	[dreg:$0x13] =	wrdreg s2;
	s17 =	sadd.s32 s0, s14;
	(pc) =	sbr.rel .LBB2_1-.Ltmp0, $4  }
0x19: {  	s10 =	sshrl.u32 s10, $0x3;
	s26 =	sadd.s32 s0, s7;
	[dreg:$0xa] =	wrdreg s17  }
0x1a: {  	s3 =	simm.s32 $0x0;
	s21 =	sadd.s32 s0, s10;
	[dreg:$0xf] =	wrdreg s26  }
0x1b: {  	s14 =	sadd.s32 s0, s25;
	s0 =	sadd.s32 s1, s30;
	[dreg:$0xd] =	wrdreg s21  }
0x1c: {  	v0 =	vimm.s32 $0x0;
	s25 =	simm.s32 $0x80;
	s26 =	simm.s32 $0x4;
	[dreg:$0x11] =	wrdreg s0  }
.LBB2_21:
0x1d: {  	s0 =	simm.s32 $0x0  }
0x1e: {  	s1 =	rddreg [dreg:$0x10];
	s2 =	simm.s32 $0xC180;
	s30 =	simm.s32 $0x5  }
0x1f: {  	[hbm4b:s1+s0] =	stream.linear.scatter [tilespmem:s2], [sflag:$0x5], $0x2000, $0x38;
	[tilespmem:$0xE380] =	vst v63  }
0x20: {  	_ =	swait.ge [sflag:s30], $0x2000  }
0x21: {  	[sflag:s30] =	ssyncset.done $0x0  }
0x22: {  	[sflag:s30] =	ssyncadd.s32 $0xFFFFE000  }
0x23: {  	[bflag:$0x0] =	sbarrier.arrive $0xFFFF  }
0x24: {  	s1 =	rddreg [dreg:$0x11]  }
0x25: {  	s0 =	simm.s32 @!p0 $0x1C05;
	s2 =	rddreg [dreg:$0x13]  }
0x26: {  	[hbm:s1], [sflag:s0] =	dma.local @!p0 [spmem:s2], $0x400  }
0x27: {  	s0 =	simm.s32 @!p0 $0x5  }
0x28: {  	_ =	swait.ge @!p0 [sflag:s0], $0x400  }
0x29: {  	s3 =	rddreg [dreg:$0x14]  }
0x2a: {  	s31 =	rddreg [dreg:$0x12];
	s3 =	sadd.s32 $0x1, s3  }
0x2b: {  	p1 =	sne.s32 s3, s31  }
.Ltmp1:
0x2c: {  	_ = 	snop;
	(pc) =	sbr.rel @!p1 .LBB2_22-.Ltmp1, $3  }
0x2d: {  	_ =	sdelay $0x1  }
0x2e: {  	[sflag:s0] =	ssyncset.done @!p0 $0x0  }
0x2f: {  	[sflag:s0] =	ssyncadd.s32 @!p0 $0xFFFFFC00  }
.LBB2_1:
0x30: {  	[dreg:$0x14] =	wrdreg s3  }
0x31: {  	s0 =	simm.s32 @!p0 $0x1C05;
	s1 =	rddreg [dreg:$0x2]  }
0x32: {  	[spmem:s2], [sflag:s0] =	dma.local @!p0 [hbm:s1], $0x400  }
0x33: {  	s0 =	simm.s32 @!p0 $0x5  }
0x34: {  	_ =	swait.ge @!p0 [sflag:s0], $0x400  }
0x35: {  	[sflag:s0] =	ssyncset.done @!p0 $0x0  }
0x36: {  	s1 =	simm.s32 $0x0;
	[sflag:s0] =	ssyncadd.s32 @!p0 $0xFFFFFC00;
	s0 =	simm.s32 $0x200  }
.LBB2_2:
0x37: {  	p1 =	sne.s32 s0, $0x7E00;
	[tilespmem:s1+$0xC180] =	vst v0;
	s1 =	smov.u32 s0;
	s0 =	sadd.s32 $0x200, s0  }
.Ltmp2:
0x38: {  	(pc) =	sbr.rel @p1 .LBB2_2-.Ltmp2, $2  }
0x39: {  	_ =	sdelay $0x2  }
0x3a: {  	s1 =	sshra.s32 s1, $0x2  }
0x3b: {  	[tilespmem:s1+$0xC180] =	vst v0  }
0x3c: {  	[bflag:$0x0] =	sbarrier.arrive $0xFFFF  }
0x3d: {  	s2 =	simm.s32 $0x0;
	s0 =	rddreg [dreg:$0x9]  }
0x3e: {  	[tilespmem:s2], [sflag:$0x1] =	stream.linear.gather [hbm4b:s0+s2], $0x4000, $0x38;
	[tilespmem:$0xE380] =	vst v63  }
0x3f: {  	s17 =	simm.s32 $0xC000;
	s16 =	rddreg [dreg:$0xa]  }
0x40: {  	[tilespmem:s17], [sflag:$0x1] =	stream.linear.gather [hbm4b:s16+s2], $0x80, $0x38;
	[tilespmem:$0xE380] =	vst v63  }
0x41: {  	s19 =	simm.s32 $0x4000;
	s18 =	rddreg [dreg:$0xc]  }
0x42: {  	[tilespmem:s19], [sflag:$0x2] =	stream.linear.gather [hbm4b:s18+s2], $0x4000, $0x38;
	[tilespmem:$0xE380] =	vst v63  }
0x43: {  	s21 =	simm.s32 $0xC080;
	s20 =	rddreg [dreg:$0xd]  }
0x44: {  	[tilespmem:s21], [sflag:$0x2] =	stream.linear.gather [hbm4b:s20+s2], $0x80, $0x38;
	[tilespmem:$0xE380] =	vst v63  }
.Ltmp3:
0x45: {  	_ = 	snop;
	(pc) =	sbr.rel .LBB2_4-.Ltmp3, $4  }
0x46: {  	s23 =	simm.s32 $0x8000;
	s22 =	rddreg [dreg:$0xe]  }
0x47: {  	[tilespmem:s23], [sflag:$0x3] =	stream.linear.gather [hbm4b:s22+s2], $0x4000, $0x38;
	[tilespmem:$0xE380] =	vst v63  }
0x48: {  	s31 =	simm.s32 $0xC100;
	s4 =	simm.s32 $0x0;
	s30 =	rddreg [dreg:$0xf]  }
0x49: {  	[tilespmem:s31], [sflag:$0x3] =	stream.linear.gather [hbm4b:s30+s2], $0x80, $0x38;
	[tilespmem:$0xE380] =	vst v63  }
.LBB2_20:
0x4a: {  	s4 =	sadd.s32 $0x1, s4  }
0x4b: {  	p1 =	sne.s32 s4, $0x12  }
.Ltmp4:
0x4c: {  	_ = 	snop;
	(pc) =	sbr.rel @!p1 .LBB2_21-.Ltmp4, $1  }
0x4d: {  	_ =	sdelay $0x3  }
.LBB2_4:
0x4e: {  	_ =	swait.ge [sflag:s24], $0x4000  }
0x4f: {  	[sflag:s24] =	ssyncset.done $0x0  }
0x50: {  	[sflag:s24] =	ssyncadd.s32 $0xFFFFC000  }
0x51: {  	s30 =	smul.u32 $0x60, s4;
	s0 =	simm.s32 $0xC000;
	_ =	swait.ge [sflag:s24], $0x80  }
0x52: {  	s1 =	simm.s32 $0x0;
	[sflag:s24] =	ssyncset.done $0x0;
	s31 =	rddreg [dreg:$0x7]  }
0x53: {  	s8 =	simm.s32 $0x0;
	[sflag:s24] =	ssyncadd.s32 $0xFFFFFF80;
	s7 =	sadd.s32 s31, s30  }
0x54: {  	[spmem:s9] =	stream.indirect.scatter.add.f32 [tilespmem:s1], [sflag:$0x4], $0x80, s0, s25, $0xb8;
	[tilespmem:$0xE380] =	vst v63  }
.LBB2_5:
0x55: {  	s0 =	sshll.u32 s8, $0x4;
	s1 =	sshll.u32 s8, $0xD  }
0x56: {  	s18 =	sshllo.u32 s8, $0x4;
	s16 =	simm.s32 $0x0;
	s12 =	sshrl.u32 s1, $0x2  }
0x57: {  	s22 =	sor.u32 $0x1, s0;
	s3 =	sor.u32 $0x2, s0;
	s10 =	sor.u32 $0x3, s0  }
0x58: {  	s5 =	sor.u32 $0x4, s0;
	s17 =	sor.u32 $0x5, s0;
	s19 =	sor.u32 $0x6, s0  }
0x59: {  	s20 =	sor.u32 $0x7, s0;
	s21 =	sshll.u32 s18, $0x9;
	s1 =	sor.u32 $0x8, s0  }
0x5a: {  	v13 =	vmov s0;
	v28 =	vld [tilespmem:s16+$0xC000];
	s6 =	sor.u32 $0xA, s0;
	s2 =	sshll.u32 s22, $0x9;
	s23 =	sshll.u32 s3, $0x9  }
0x5b: {  	v1 =	vmov s18;
	s11 =	sshll.u32 s10, $0x9;
	v18 =	vld [tilespmem:s12+$0xC180];
	v15 =	vmov s3;
	v14 =	vmov s10;
	s3 =	sor.u32 $0x9, s0;
	s10 =	sshrl.u32 s21, $0x2  }
0x5c: {  	v17 =	vmov s22;
	v16 =	vmov s5;
	v12 =	vmov s17;
	s22 =	sor.u32 $0xB, s0;
	s17 =	sshll.u32 s17, $0x9;
	s15 =	sshrl.u32 s2, $0x2;
	v6 =	vld [tilespmem:s10+$0xC180]  }
0x5d: {  	v10 =	vmov s19;
	v11 =	vmov s20;
	v9 =	vmov s1;
	s13 =	sshrl.u32 s23, $0x2;
	s11 =	sshrl.u32 s11, $0x2;
	s23 =	sor.u32 $0xC, s0;
	v19 =	vld [tilespmem:s15+$0xC180]  }
0x5e: {  	v8 =	vmov s6;
	v7 =	vmov s3;
	s2 =	sshll.u32 s5, $0x9;
	s5 =	sor.u32 $0xD, s0;
	s0 =	sor.u32 $0xE, s0;
	v5 =	vmov s22;
	v20 =	vld [tilespmem:s13+$0xC180]  }
0x5f: {  	s18 =	sshll.u32 s19, $0x9;
	s17 =	sshrl.u32 s17, $0x2;
	v3 =	vmov s23;
	v21 =	vld [tilespmem:s11+$0xC180];
	v4 =	vmov s5;
	v2 =	vmov s0  }
0x60: {  	s1 =	sshll.u32 s1, $0x9;
	s31 =	sshrl.u32 s18, $0x2;
	v23 =	vld [tilespmem:s17+$0xC180];
	vm0 =	veq.s32 v28, v13;
	vm1 =	veq.s32 v28, v17;
	vm3 =	veq.s32 v28, v1  }
0x61: {  	s1 =	sshrl.u32 s1, $0x2;
	v24 =	vld [tilespmem:s31+$0xC180];
	vm4 =	veq.s32 v28, v15;
	vm2 =	veq.s32 v28, v14;
	vm5 =	veq.s32 v28, v12  }
0x62: {  	s19 =	sshll.u32 s20, $0x9;
	s20 =	sshll.u32 s3, $0x9;
	s16 =	sshrl.u32 s2, $0x2;
	v26 =	vld [tilespmem:s1+$0xC180];
	vm6 =	veq.s32 v28, v10;
	vm7 =	veq.s32 v28, v11;
	vm8 =	veq.s32 v28, v9  }
0x63: {  	s3 =	sshll.u32 s22, $0x9;
	s20 =	sshrl.u32 s20, $0x2;
	v22 =	vld [tilespmem:s16+$0xC180];
	vm9 =	veq.s32 v28, v7;
	vm10 =	veq.s32 v28, v8;
	vm11 =	veq.s32 v28, v5  }
0x64: {  	s21 =	sshll.u32 s6, $0x9;
	s22 =	sshrl.u32 s3, $0x2;
	s6 =	sshll.u32 s23, $0x9;
	v27 =	vld [tilespmem:s20+$0xC180];
	vm12 =	veq.s32 v28, v3;
	vm13 =	veq.s32 v28, v4;
	vm14 =	veq.s32 v28, v2  }
0x65: {  	s18 =	sshrl.u32 s19, $0x2;
	s19 =	sshll.u32 s5, $0x9;
	v29 =	vld [tilespmem:s22+$0xC180];
	s23 =	sshrl.u32 s6, $0x2;
	v25 =	vsel vm3, $0x1, v0;
	vm3 =	veq.s32 v28, v16;
	v33 =	vsel vm0, $0x1, v0  }
0x66: {  	s19 =	sshrl.u32 s19, $0x2;
	v30 =	vld [tilespmem:s23+$0xC180];
	v34 =	vsel vm1, $0x1, v0;
	v35 =	vsel vm4, $0x1, v0;
	v36 =	vsel vm2, $0x1, v0  }
0x67: {  	v31 =	vld [tilespmem:s19+$0xC180];
	v38 =	vsel vm5, $0x1, v0;
	v39 =	vsel vm6, $0x1, v0;
	v40 =	vsel vm7, $0x1, v0  }
0x68: {  	s21 =	sshrl.u32 s21, $0x2;
	s0 =	sshll.u32 s0, $0x9;
	v41 =	vsel vm8, $0x1, v0;
	v42 =	vsel vm9, $0x1, v0;
	v6 =	vadd.s32 v25, v6;
	v25 =	vld [tilespmem:s18+$0xC180]  }
0x69: {  	s2 =	sshrl.u32 s0, $0x2;
	v28 =	vld [tilespmem:s21+$0xC180];
	v43 =	vsel vm10, $0x1, v0;
	v44 =	vsel vm11, $0x1, v0;
	v46 =	vsel vm12, $0x1, v0  }
0x6a: {  	s3 =	simm.s32 $0x10;
	s0 =	simm.s32 $0x80;
	v32 =	vld [tilespmem:s2+$0xC180];
	v47 =	vsel vm13, $0x1, v0;
	v45 =	vsel vm14, $0x1, v0;
	v37 =	vsel vm3, $0x1, v0  }
.LBB2_6:
0x6b: {  	p1 =	sne.s32 s0, $0x1C0;
	v48 =	vld [tilespmem:s3+$0xC000];
	v18 =	vadd.s32 v33, v18;
	v19 =	vadd.s32 v34, v19;
	v20 =	vadd.s32 v35, v20  }
0x6c: {  	v21 =	vadd.s32 v36, v21;
	v22 =	vadd.s32 v37, v22;
	v23 =	vadd.s32 v38, v23  }
0x6d: {  	v24 =	vadd.s32 v39, v24;
	v25 =	vadd.s32 v40, v25;
	v26 =	vadd.s32 v41, v26  }
0x6e: {  	v27 =	vadd.s32 v42, v27;
	v28 =	vadd.s32 v43, v28;
	v29 =	vadd.s32 v44, v29  }
0x6f: {  	v30 =	vadd.s32 v46, v30;
	v31 =	vadd.s32 v47, v31;
	v32 =	vadd.s32 v45, v32  }
0x70: {  	vm0 =	veq.s32 v48, v13;
	vm1 =	veq.s32 v48, v17;
	vm2 =	veq.s32 v48, v1  }
0x71: {  	vm3 =	veq.s32 v48, v15;
	vm4 =	veq.s32 v48, v14;
	v33 =	vsel vm2, $0x1, v0  }
0x72: {  	vm5 =	veq.s32 v48, v12;
	vm2 =	veq.s32 v48, v16;
	v6 =	vadd.s32 v33, v6  }
0x73: {  	vm6 =	veq.s32 v48, v10;
	vm7 =	veq.s32 v48, v11;
	vm8 =	veq.s32 v48, v9  }
0x74: {  	vm9 =	veq.s32 v48, v7;
	vm10 =	veq.s32 v48, v8;
	vm11 =	veq.s32 v48, v5  }
0x75: {  	vm12 =	veq.s32 v48, v3;
	vm13 =	veq.s32 v48, v4;
	vm14 =	veq.s32 v48, v2  }
.Ltmp5:
0x76: {  	v34 =	vsel vm1, $0x1, v0;
	v35 =	vsel vm3, $0x1, v0;
	v33 =	vsel vm0, $0x1, v0;
	(pc) =	sbr.rel @p1 .LBB2_6-.Ltmp5, $4  }
0x77: {  	v36 =	vsel vm4, $0x1, v0;
	v38 =	vsel vm5, $0x1, v0;
	v37 =	vsel vm2, $0x1, v0  }
0x78: {  	v39 =	vsel vm6, $0x1, v0;
	v40 =	vsel vm7, $0x1, v0;
	v41 =	vsel vm8, $0x1, v0  }
0x79: {  	v42 =	vsel vm9, $0x1, v0;
	v43 =	vsel vm10, $0x1, v0;
	v44 =	vsel vm11, $0x1, v0  }
0x7a: {  	s3 =	sshra.s32 s0, $0x2;
	s0 =	sadd.s32 $0x40, s0;
	v46 =	vsel vm12, $0x1, v0;
	v47 =	vsel vm13, $0x1, v0;
	v45 =	vsel vm14, $0x1, v0  }
0x7b: {  	v48 =	vld [tilespmem:s3+$0xC000]  }
0x7c: {  	v18 =	vadd.s32 v33, v18;
	v19 =	vadd.s32 v34, v19;
	v20 =	vadd.s32 v35, v20  }
0x7d: {  	v21 =	vadd.s32 v36, v21;
	v22 =	vadd.s32 v37, v22;
	v23 =	vadd.s32 v38, v23  }
0x7e: {  	v24 =	vadd.s32 v39, v24;
	v25 =	vadd.s32 v40, v25;
	v26 =	vadd.s32 v41, v26  }
0x7f: {  	v27 =	vadd.s32 v42, v27;
	v28 =	vadd.s32 v43, v28;
	v29 =	vadd.s32 v44, v29  }
0x80: {  	v30 =	vadd.s32 v46, v30;
	v31 =	vadd.s32 v47, v31;
	vm0 =	veq.s32 v48, v13  }
0x81: {  	v50 =	vadd.s32 v45, v32;
	vm1 =	veq.s32 v48, v17;
	v51 =	vsel vm0, $0x1, v0  }
0x82: {  	vm14 =	veq.s32 v48, v15;
	v52 =	vsel vm1, $0x1, v0;
	v17 =	vadd.s32 v51, v18  }
0x83: {  	vm15 =	veq.s32 v48, v14;
	v53 =	vsel vm14, $0x1, v0;
	v15 =	vadd.s32 v52, v19;
	[tilespmem:s12+$0xC180] =	vst v17  }
0x84: {  	vm4 =	veq.s32 v48, v16;
	v54 =	vsel vm15, $0x1, v0;
	v14 =	vadd.s32 v53, v20;
	[tilespmem:s15+$0xC180] =	vst v15  }
0x85: {  	vm5 =	veq.s32 v48, v12;
	v55 =	vsel vm4, $0x1, v0;
	v56 =	vadd.s32 v54, v21;
	[tilespmem:s13+$0xC180] =	vst v14  }
0x86: {  	vm6 =	veq.s32 v48, v10;
	v57 =	vsel vm5, $0x1, v0;
	v12 =	vadd.s32 v55, v22;
	[tilespmem:s11+$0xC180] =	vst v56  }
0x87: {  	vm7 =	veq.s32 v48, v11;
	v58 =	vsel vm6, $0x1, v0;
	v10 =	vadd.s32 v57, v23;
	[tilespmem:s16+$0xC180] =	vst v12  }
0x88: {  	vm8 =	veq.s32 v48, v9;
	v59 =	vsel vm7, $0x1, v0;
	v11 =	vadd.s32 v58, v24;
	[tilespmem:s17+$0xC180] =	vst v10  }
0x89: {  	vm9 =	veq.s32 v48, v7;
	v60 =	vsel vm8, $0x1, v0;
	v9 =	vadd.s32 v59, v25;
	[tilespmem:s31+$0xC180] =	vst v11  }
0x8a: {  	vm10 =	veq.s32 v48, v8;
	v61 =	vsel vm9, $0x1, v0;
	v7 =	vadd.s32 v60, v26;
	[tilespmem:s18+$0xC180] =	vst v9  }
0x8b: {  	vm11 =	veq.s32 v48, v5;
	v62 =	vsel vm10, $0x1, v0;
	v8 =	vadd.s32 v61, v27;
	[tilespmem:s1+$0xC180] =	vst v7  }
0x8c: {  	s8 =	sadd.s32 $0x1, s8;
	vm12 =	veq.s32 v48, v3;
	v3 =	vsel vm11, $0x1, v0;
	v5 =	vadd.s32 v62, v28;
	[tilespmem:s20+$0xC180] =	vst v8  }
0x8d: {  	p1 =	sne.s32 s8, $0x4;
	vm13 =	veq.s32 v48, v4;
	v63 =	vsel vm12, $0x1, v0;
	v3 =	vadd.s32 v3, v29;
	[tilespmem:s21+$0xC180] =	vst v5  }
.Ltmp6:
0x8e: {  	vm14 =	veq.s32 v48, v2;
	v2 =	vsel vm13, $0x1, v0;
	v4 =	vadd.s32 v63, v30;
	[tilespmem:s22+$0xC180] =	vst v3;
	(pc) =	sbr.rel @p1 .LBB2_5-.Ltmp6, $4  }
0x8f: {  	vm15 =	veq.s32 v48, v1;
	v1 =	vsel vm14, $0x1, v0;
	v2 =	vadd.s32 v2, v31;
	[tilespmem:s23+$0xC180] =	vst v4  }
0x90: {  	v1 =	vadd.s32 v1, v50;
	v3 =	vsel vm15, $0x1, v0;
	[tilespmem:s19+$0xC180] =	vst v2  }
0x91: {  	v2 =	vadd.s32 v3, v6;
	[tilespmem:s2+$0xC180] =	vst v1  }
0x92: {  	[tilespmem:s10+$0xC180] =	vst v2  }
0x93: {  	_ =	swait.ge [sflag:s26], $0x4000  }
0x94: {  	p1 =	sgt.u32 s7, $0x963;
	[sflag:s26] =	ssyncset.done $0x0  }
0x95: {  	s0 =	sadd.s32 @!p1 $0x60, s7;
	s31 =	rddreg [dreg:$0x8];
	[sflag:s26] =	ssyncadd.s32 $0xFFFFC000  }
0x96: {  	s1 =	sshll.u32 @!p1 s0, $0xB;
	s0 =	sshll.u32 @!p1 s0, $0x4;
	s2 =	rddreg [dreg:$0x0]  }
0x97: {  	s0 =	sand.u32 @!p1 $0x1FF80, s0;
	s1 =	sadd.s32 @!p1 s2, s1;
	s2 =	simm.s32 @!p1 $0x0  }
0x98: {  	[tilespmem:s2], [sflag:$0x1] =	stream.linear.gather @!p1 [hbm4b:s1+s2], $0x4000, $0x38;
	[tilespmem:$0xE380] =	vst v63  }
0x99: {  	s7 =	sadd.s32 s30, s31;
	s0 =	sadd.s32 @!p1 s0, s14;
	s1 =	simm.s32 @!p1 $0xC000  }
0x9a: {  	[tilespmem:s1], [sflag:$0x1] =	stream.linear.gather @!p1 [hbm4b:s0+s2], $0x80, $0x38;
	[tilespmem:$0xE380] =	vst v63  }
0x9b: {  	p1 =	sgt.u32 s7, $0x9C3  }
.Ltmp7:
0x9c: {  	_ = 	snop;
	(pc) =	sbr.rel @p1 .LBB2_14-.Ltmp7, $1  }
0x9d: {  	_ =	sdelay $0x3  }
0x9e: {  	_ =	swait.ge [sflag:s28], $0x4000  }
0x9f: {  	[sflag:s28] =	ssyncset.done $0x0  }
0xa0: {  	[sflag:s28] =	ssyncadd.s32 $0xFFFFC000  }
0xa1: {  	_ =	swait.ge [sflag:s28], $0x80  }
0xa2: {  	s0 =	simm.s32 $0x4000;
	[sflag:s28] =	ssyncset.done $0x0  }
0xa3: {  	s1 =	simm.s32 $0xC080;
	s8 =	simm.s32 $0x0;
	[sflag:s28] =	ssyncadd.s32 $0xFFFFFF80  }
0xa4: {  	[spmem:s9] =	stream.indirect.scatter.add.f32 [tilespmem:s0], [sflag:$0x4], $0x80, s1, s25, $0xb8;
	[tilespmem:$0xE380] =	vst v63  }
.LBB2_10:
0xa5: {  	s0 =	sshll.u32 s8, $0x4;
	s1 =	sshll.u32 s8, $0xD  }
0xa6: {  	s18 =	sshllo.u32 s8, $0x4;
	s12 =	sshrl.u32 s1, $0x2;
	s22 =	sor.u32 $0x1, s0  }
0xa7: {  	s3 =	sor.u32 $0x2, s0;
	s5 =	sor.u32 $0x3, s0;
	s6 =	sor.u32 $0x4, s0  }
0xa8: {  	s17 =	sor.u32 $0x5, s0;
	s19 =	sor.u32 $0x6, s0;
	s20 =	sor.u32 $0x7, s0  }
0xa9: {  	s16 =	sshll.u32 s18, $0x9;
	s21 =	sor.u32 $0xA, s0;
	s23 =	sshll.u32 s3, $0x9  }
0xaa: {  	v13 =	vmov s0;
	s2 =	sshll.u32 s22, $0x9;
	v18 =	vld [tilespmem:s12+$0xC180];
	s13 =	sshrl.u32 s23, $0x2;
	s23 =	simm.s32 $0x0  }
0xab: {  	v1 =	vmov s18;
	s10 =	sshll.u32 s5, $0x9;
	v17 =	vmov s22;
	v15 =	vmov s3;
	s3 =	sor.u32 $0x8, s0;
	s15 =	sshrl.u32 s2, $0x2;
	v28 =	vld [tilespmem:s23+$0xC080]  }
0xac: {  	v14 =	vmov s5;
	s5 =	sor.u32 $0x9, s0;
	v16 =	vmov s6;
	v12 =	vmov s17;
	s11 =	sshrl.u32 s10, $0x2;
	s10 =	sshrl.u32 s16, $0x2;
	v19 =	vld [tilespmem:s15+$0xC180]  }
0xad: {  	v10 =	vmov s19;
	s22 =	sor.u32 $0xB, s0;
	v11 =	vmov s20;
	v8 =	vmov s21;
	s17 =	sshll.u32 s17, $0x9;
	s2 =	sshll.u32 s6, $0x9;
	v6 =	vld [tilespmem:s10+$0xC180]  }
0xae: {  	v9 =	vmov s3;
	v7 =	vmov s5;
	s6 =	sor.u32 $0xD, s0;
	v5 =	vmov s22;
	s23 =	sor.u32 $0xC, s0;
	v20 =	vld [tilespmem:s13+$0xC180];
	s0 =	sor.u32 $0xE, s0  }
0xaf: {  	s18 =	sshll.u32 s19, $0x9;
	s17 =	sshrl.u32 s17, $0x2;
	v21 =	vld [tilespmem:s11+$0xC180];
	v4 =	vmov s6;
	v3 =	vmov s23;
	v2 =	vmov s0  }
0xb0: {  	s31 =	sshrl.u32 s18, $0x2;
	v23 =	vld [tilespmem:s17+$0xC180];
	vm0 =	veq.s32 v28, v13;
	vm1 =	veq.s32 v28, v17;
	vm3 =	veq.s32 v28, v1  }
0xb1: {  	s1 =	sshll.u32 s3, $0x9;
	s16 =	sshrl.u32 s2, $0x2;
	v24 =	vld [tilespmem:s31+$0xC180];
	vm4 =	veq.s32 v28, v15;
	vm2 =	veq.s32 v28, v14;
	vm5 =	veq.s32 v28, v12  }
0xb2: {  	s19 =	sshll.u32 s20, $0x9;
	s20 =	sshll.u32 s5, $0x9;
	s1 =	sshrl.u32 s1, $0x2;
	v22 =	vld [tilespmem:s16+$0xC180];
	vm6 =	veq.s32 v28, v10;
	vm7 =	veq.s32 v28, v11;
	vm8 =	veq.s32 v28, v9  }
0xb3: {  	s3 =	sshll.u32 s22, $0x9;
	s20 =	sshrl.u32 s20, $0x2;
	v26 =	vld [tilespmem:s1+$0xC180];
	vm9 =	veq.s32 v28, v7;
	vm10 =	veq.s32 v28, v8;
	vm11 =	veq.s32 v28, v5  }
0xb4: {  	s18 =	sshrl.u32 s19, $0x2;
	s22 =	sshrl.u32 s3, $0x2;
	s19 =	sshll.u32 s6, $0x9;
	v27 =	vld [tilespmem:s20+$0xC180];
	vm12 =	veq.s32 v28, v3;
	vm13 =	veq.s32 v28, v4;
	vm14 =	veq.s32 v28, v2  }
0xb5: {  	s5 =	sshll.u32 s23, $0x9;
	v29 =	vld [tilespmem:s22+$0xC180];
	s19 =	sshrl.u32 s19, $0x2;
	v25 =	vsel vm3, $0x1, v0;
	vm3 =	veq.s32 v28, v16;
	v33 =	vsel vm0, $0x1, v0  }
0xb6: {  	s23 =	sshrl.u32 s5, $0x2;
	v31 =	vld [tilespmem:s19+$0xC180];
	v34 =	vsel vm1, $0x1, v0;
	v35 =	vsel vm4, $0x1, v0;
	v36 =	vsel vm2, $0x1, v0  }
0xb7: {  	s21 =	sshll.u32 s21, $0x9;
	v30 =	vld [tilespmem:s23+$0xC180];
	v38 =	vsel vm5, $0x1, v0;
	v39 =	vsel vm6, $0x1, v0;
	v40 =	vsel vm7, $0x1, v0  }
0xb8: {  	s21 =	sshrl.u32 s21, $0x2;
	s0 =	sshll.u32 s0, $0x9;
	v41 =	vsel vm8, $0x1, v0;
	v42 =	vsel vm9, $0x1, v0;
	v6 =	vadd.s32 v25, v6;
	v25 =	vld [tilespmem:s18+$0xC180]  }
0xb9: {  	s2 =	sshrl.u32 s0, $0x2;
	v28 =	vld [tilespmem:s21+$0xC180];
	v43 =	vsel vm10, $0x1, v0;
	v44 =	vsel vm11, $0x1, v0;
	v46 =	vsel vm12, $0x1, v0  }
0xba: {  	s3 =	simm.s32 $0x10;
	s0 =	simm.s32 $0x80;
	v32 =	vld [tilespmem:s2+$0xC180];
	v47 =	vsel vm13, $0x1, v0;
	v45 =	vsel vm14, $0x1, v0;
	v37 =	vsel vm3, $0x1, v0  }
.LBB2_11:
0xbb: {  	p1 =	sne.s32 s0, $0x1C0;
	v48 =	vld [tilespmem:s3+$0xC080];
	v18 =	vadd.s32 v33, v18;
	v19 =	vadd.s32 v34, v19;
	v20 =	vadd.s32 v35, v20  }
0xbc: {  	v21 =	vadd.s32 v36, v21;
	v22 =	vadd.s32 v37, v22;
	v23 =	vadd.s32 v38, v23  }
0xbd: {  	v24 =	vadd.s32 v39, v24;
	v25 =	vadd.s32 v40, v25;
	v26 =	vadd.s32 v41, v26  }
0xbe: {  	v27 =	vadd.s32 v42, v27;
	v28 =	vadd.s32 v43, v28;
	v29 =	vadd.s32 v44, v29  }
0xbf: {  	v30 =	vadd.s32 v46, v30;
	v31 =	vadd.s32 v47, v31;
	v32 =	vadd.s32 v45, v32  }
0xc0: {  	vm0 =	veq.s32 v48, v13;
	vm1 =	veq.s32 v48, v17;
	vm2 =	veq.s32 v48, v1  }
0xc1: {  	vm3 =	veq.s32 v48, v15;
	vm4 =	veq.s32 v48, v14;
	v33 =	vsel vm2, $0x1, v0  }
0xc2: {  	vm5 =	veq.s32 v48, v12;
	vm2 =	veq.s32 v48, v16;
	v6 =	vadd.s32 v33, v6  }
0xc3: {  	vm6 =	veq.s32 v48, v10;
	vm7 =	veq.s32 v48, v11;
	vm8 =	veq.s32 v48, v9  }
0xc4: {  	vm9 =	veq.s32 v48, v7;
	vm10 =	veq.s32 v48, v8;
	vm11 =	veq.s32 v48, v5  }
0xc5: {  	vm12 =	veq.s32 v48, v3;
	vm13 =	veq.s32 v48, v4;
	vm14 =	veq.s32 v48, v2  }
.Ltmp8:
0xc6: {  	v34 =	vsel vm1, $0x1, v0;
	v35 =	vsel vm3, $0x1, v0;
	v33 =	vsel vm0, $0x1, v0;
	(pc) =	sbr.rel @p1 .LBB2_11-.Ltmp8, $4  }
0xc7: {  	v36 =	vsel vm4, $0x1, v0;
	v38 =	vsel vm5, $0x1, v0;
	v37 =	vsel vm2, $0x1, v0  }
0xc8: {  	v39 =	vsel vm6, $0x1, v0;
	v40 =	vsel vm7, $0x1, v0;
	v41 =	vsel vm8, $0x1, v0  }
0xc9: {  	v42 =	vsel vm9, $0x1, v0;
	v43 =	vsel vm10, $0x1, v0;
	v44 =	vsel vm11, $0x1, v0  }
0xca: {  	s3 =	sshra.s32 s0, $0x2;
	s0 =	sadd.s32 $0x40, s0;
	v46 =	vsel vm12, $0x1, v0;
	v47 =	vsel vm13, $0x1, v0;
	v45 =	vsel vm14, $0x1, v0  }
0xcb: {  	v48 =	vld [tilespmem:s3+$0xC080]  }
0xcc: {  	v18 =	vadd.s32 v33, v18;
	v19 =	vadd.s32 v34, v19;
	v20 =	vadd.s32 v35, v20  }
0xcd: {  	v21 =	vadd.s32 v36, v21;
	v22 =	vadd.s32 v37, v22;
	v23 =	vadd.s32 v38, v23  }
0xce: {  	v24 =	vadd.s32 v39, v24;
	v25 =	vadd.s32 v40, v25;
	v26 =	vadd.s32 v41, v26  }
0xcf: {  	v27 =	vadd.s32 v42, v27;
	v28 =	vadd.s32 v43, v28;
	v29 =	vadd.s32 v44, v29  }
0xd0: {  	v30 =	vadd.s32 v46, v30;
	v31 =	vadd.s32 v47, v31;
	vm0 =	veq.s32 v48, v13  }
0xd1: {  	v50 =	vadd.s32 v45, v32;
	vm1 =	veq.s32 v48, v17;
	v51 =	vsel vm0, $0x1, v0  }
0xd2: {  	vm14 =	veq.s32 v48, v15;
	v52 =	vsel vm1, $0x1, v0;
	v17 =	vadd.s32 v51, v18  }
0xd3: {  	vm15 =	veq.s32 v48, v14;
	v53 =	vsel vm14, $0x1, v0;
	v15 =	vadd.s32 v52, v19;
	[tilespmem:s12+$0xC180] =	vst v17  }
0xd4: {  	vm4 =	veq.s32 v48, v16;
	v54 =	vsel vm15, $0x1, v0;
	v14 =	vadd.s32 v53, v20;
	[tilespmem:s15+$0xC180] =	vst v15  }
0xd5: {  	vm5 =	veq.s32 v48, v12;
	v55 =	vsel vm4, $0x1, v0;
	v56 =	vadd.s32 v54, v21;
	[tilespmem:s13+$0xC180] =	vst v14  }
0xd6: {  	vm6 =	veq.s32 v48, v10;
	v57 =	vsel vm5, $0x1, v0;
	v12 =	vadd.s32 v55, v22;
	[tilespmem:s11+$0xC180] =	vst v56  }
0xd7: {  	vm7 =	veq.s32 v48, v11;
	v58 =	vsel vm6, $0x1, v0;
	v10 =	vadd.s32 v57, v23;
	[tilespmem:s16+$0xC180] =	vst v12  }
0xd8: {  	vm8 =	veq.s32 v48, v9;
	v59 =	vsel vm7, $0x1, v0;
	v11 =	vadd.s32 v58, v24;
	[tilespmem:s17+$0xC180] =	vst v10  }
0xd9: {  	vm9 =	veq.s32 v48, v7;
	v60 =	vsel vm8, $0x1, v0;
	v9 =	vadd.s32 v59, v25;
	[tilespmem:s31+$0xC180] =	vst v11  }
0xda: {  	vm10 =	veq.s32 v48, v8;
	v61 =	vsel vm9, $0x1, v0;
	v7 =	vadd.s32 v60, v26;
	[tilespmem:s18+$0xC180] =	vst v9  }
0xdb: {  	vm11 =	veq.s32 v48, v5;
	v62 =	vsel vm10, $0x1, v0;
	v8 =	vadd.s32 v61, v27;
	[tilespmem:s1+$0xC180] =	vst v7  }
0xdc: {  	s8 =	sadd.s32 $0x1, s8;
	vm12 =	veq.s32 v48, v3;
	v3 =	vsel vm11, $0x1, v0;
	v5 =	vadd.s32 v62, v28;
	[tilespmem:s20+$0xC180] =	vst v8  }
0xdd: {  	p1 =	sne.s32 s8, $0x4;
	vm13 =	veq.s32 v48, v4;
	v63 =	vsel vm12, $0x1, v0;
	v3 =	vadd.s32 v3, v29;
	[tilespmem:s21+$0xC180] =	vst v5  }
.Ltmp9:
0xde: {  	vm14 =	veq.s32 v48, v2;
	v2 =	vsel vm13, $0x1, v0;
	v4 =	vadd.s32 v63, v30;
	[tilespmem:s22+$0xC180] =	vst v3;
	(pc) =	sbr.rel @p1 .LBB2_10-.Ltmp9, $4  }
0xdf: {  	vm15 =	veq.s32 v48, v1;
	v1 =	vsel vm14, $0x1, v0;
	v2 =	vadd.s32 v2, v31;
	[tilespmem:s23+$0xC180] =	vst v4  }
0xe0: {  	v1 =	vadd.s32 v1, v50;
	v3 =	vsel vm15, $0x1, v0;
	[tilespmem:s19+$0xC180] =	vst v2  }
0xe1: {  	v2 =	vadd.s32 v3, v6;
	[tilespmem:s2+$0xC180] =	vst v1  }
0xe2: {  	[tilespmem:s10+$0xC180] =	vst v2  }
0xe3: {  	_ =	swait.ge [sflag:s26], $0x4000  }
0xe4: {  	p1 =	sgt.u32 s7, $0x963;
	[sflag:s26] =	ssyncset.done $0x0  }
0xe5: {  	s0 =	sadd.s32 @!p1 $0x60, s7;
	s3 =	simm.s32 @!p1 $0x4000;
	[sflag:s26] =	ssyncadd.s32 $0xFFFFC000  }
0xe6: {  	s1 =	sshll.u32 @!p1 s0, $0xB;
	s0 =	sshll.u32 @!p1 s0, $0x4;
	s2 =	rddreg [dreg:$0x0]  }
0xe7: {  	s0 =	sand.u32 @!p1 $0x1FF80, s0;
	s1 =	sadd.s32 @!p1 s2, s1;
	s2 =	simm.s32 @!p1 $0x0  }
0xe8: {  	[tilespmem:s3], [sflag:$0x2] =	stream.linear.gather @!p1 [hbm4b:s1+s2], $0x4000, $0x38;
	[tilespmem:$0xE380] =	vst v63  }
0xe9: {  	s0 =	sadd.s32 @!p1 s0, s14;
	s1 =	simm.s32 @!p1 $0xC080  }
0xea: {  	[tilespmem:s1], [sflag:$0x2] =	stream.linear.gather @!p1 [hbm4b:s0+s2], $0x80, $0x38;
	[tilespmem:$0xE380] =	vst v63  }
.LBB2_14:
0xeb: {  	s0 =	rddreg [dreg:$0xb]  }
0xec: {  	s7 =	sadd.s32 s30, s0  }
0xed: {  	p1 =	sgt.u32 s7, $0x9C3  }
.Ltmp10:
0xee: {  	_ = 	snop;
	(pc) =	sbr.rel @p1 .LBB2_20-.Ltmp10, $1  }
0xef: {  	_ =	sdelay $0x3  }
0xf0: {  	_ =	swait.ge [sflag:s29], $0x4000  }
0xf1: {  	[sflag:s29] =	ssyncset.done $0x0  }
0xf2: {  	[sflag:s29] =	ssyncadd.s32 $0xFFFFC000  }
0xf3: {  	_ =	swait.ge [sflag:s29], $0x80  }
0xf4: {  	s0 =	simm.s32 $0x8000;
	[sflag:s29] =	ssyncset.done $0x0  }
0xf5: {  	s1 =	simm.s32 $0xC100;
	s8 =	simm.s32 $0x0;
	[sflag:s29] =	ssyncadd.s32 $0xFFFFFF80  }
0xf6: {  	[spmem:s9] =	stream.indirect.scatter.add.f32 [tilespmem:s0], [sflag:$0x4], $0x80, s1, s25, $0xb8;
	[tilespmem:$0xE380] =	vst v63  }
.LBB2_16:
0xf7: {  	s0 =	sshll.u32 s8, $0x4;
	s1 =	sshll.u32 s8, $0xD  }
0xf8: {  	s17 =	sshllo.u32 s8, $0x4;
	s10 =	simm.s32 $0x0;
	s12 =	sshrl.u32 s1, $0x2  }
0xf9: {  	s22 =	sor.u32 $0x1, s0;
	s3 =	sor.u32 $0x2, s0;
	s5 =	sor.u32 $0x3, s0  }
0xfa: {  	s31 =	sor.u32 $0x4, s0;
	s18 =	sor.u32 $0x6, s0;
	s19 =	sor.u32 $0x7, s0  }
0xfb: {  	s16 =	sshll.u32 s17, $0x9;
	s20 =	sor.u32 $0x9, s0;
	s21 =	sor.u32 $0xA, s0  }
0xfc: {  	v13 =	vmov s0;
	v28 =	vld [tilespmem:s10+$0xC100];
	s2 =	sshll.u32 s22, $0x9;
	s23 =	sshll.u32 s3, $0x9;
	s6 =	sshll.u32 s5, $0x9  }
0xfd: {  	v1 =	vmov s17;
	v18 =	vld [tilespmem:s12+$0xC180];
	v17 =	vmov s22;
	v14 =	vmov s5;
	s5 =	sor.u32 $0x8, s0;
	s10 =	sshrl.u32 s16, $0x2;
	s22 =	sor.u32 $0xB, s0  }
0xfe: {  	v15 =	vmov s3;
	v16 =	vmov s31;
	v10 =	vmov s18;
	s18 =	sshll.u32 s18, $0x9;
	s15 =	sshrl.u32 s2, $0x2;
	s13 =	sshrl.u32 s23, $0x2;
	v6 =	vld [tilespmem:s10+$0xC180]  }
0xff: {  	v11 =	vmov s19;
	v7 =	vmov s20;
	v8 =	vmov s21;
	s11 =	sshrl.u32 s6, $0x2;
	s6 =	sor.u32 $0x5, s0;
	s23 =	sor.u32 $0xC, s0;
	v19 =	vld [tilespmem:s15+$0xC180]  }
0x100: {  	v9 =	vmov s5;
	s2 =	sshll.u32 s31, $0x9;
	s31 =	sor.u32 $0xD, s0;
	s0 =	sor.u32 $0xE, s0;
	v5 =	vmov s22;
	v12 =	vmov s6;
	v20 =	vld [tilespmem:s13+$0xC180]  }
0x101: {  	s20 =	sshll.u32 s20, $0x9;
	s30 =	sshrl.u32 s18, $0x2;
	v3 =	vmov s23;
	v21 =	vld [tilespmem:s11+$0xC180];
	v4 =	vmov s31;
	v2 =	vmov s0  }
0x102: {  	s20 =	sshrl.u32 s20, $0x2;
	v24 =	vld [tilespmem:s30+$0xC180];
	vm0 =	veq.s32 v28, v13;
	vm1 =	veq.s32 v28, v17;
	vm3 =	veq.s32 v28, v1  }
0x103: {  	s1 =	sshll.u32 s5, $0x9;
	s16 =	sshrl.u32 s2, $0x2;
	v27 =	vld [tilespmem:s20+$0xC180];
	vm4 =	veq.s32 v28, v15;
	vm2 =	veq.s32 v28, v14;
	vm5 =	veq.s32 v28, v12  }
0x104: {  	s22 =	sshll.u32 s22, $0x9;
	s1 =	sshrl.u32 s1, $0x2;
	v22 =	vld [tilespmem:s16+$0xC180];
	vm6 =	veq.s32 v28, v10;
	vm7 =	veq.s32 v28, v11;
	vm8 =	veq.s32 v28, v9  }
0x105: {  	s6 =	sshll.u32 s6, $0x9;
	s22 =	sshrl.u32 s22, $0x2;
	v26 =	vld [tilespmem:s1+$0xC180];
	vm9 =	veq.s32 v28, v7;
	vm10 =	veq.s32 v28, v8;
	vm11 =	veq.s32 v28, v5  }
0x106: {  	s23 =	sshll.u32 s23, $0x9;
	s17 =	sshrl.u32 s6, $0x2;
	v29 =	vld [tilespmem:s22+$0xC180];
	vm12 =	veq.s32 v28, v3;
	vm13 =	veq.s32 v28, v4;
	vm14 =	veq.s32 v28, v2  }
0x107: {  	s19 =	sshll.u32 s19, $0x9;
	s31 =	sshll.u32 s31, $0x9;
	s23 =	sshrl.u32 s23, $0x2;
	v23 =	vld [tilespmem:s17+$0xC180];
	v25 =	vsel vm3, $0x1, v0;
	vm3 =	veq.s32 v28, v16;
	v33 =	vsel vm0, $0x1, v0  }
0x108: {  	s18 =	sshrl.u32 s19, $0x2;
	s19 =	sshrl.u32 s31, $0x2;
	v30 =	vld [tilespmem:s23+$0xC180];
	v34 =	vsel vm1, $0x1, v0;
	v35 =	vsel vm4, $0x1, v0;
	v36 =	vsel vm2, $0x1, v0  }
0x109: {  	s21 =	sshll.u32 s21, $0x9;
	v31 =	vld [tilespmem:s19+$0xC180];
	v38 =	vsel vm5, $0x1, v0;
	v39 =	vsel vm6, $0x1, v0;
	v40 =	vsel vm7, $0x1, v0  }
0x10a: {  	s21 =	sshrl.u32 s21, $0x2;
	s0 =	sshll.u32 s0, $0x9;
	v41 =	vsel vm8, $0x1, v0;
	v42 =	vsel vm9, $0x1, v0;
	v6 =	vadd.s32 v25, v6;
	v25 =	vld [tilespmem:s18+$0xC180]  }
0x10b: {  	s2 =	sshrl.u32 s0, $0x2;
	v28 =	vld [tilespmem:s21+$0xC180];
	v43 =	vsel vm10, $0x1, v0;
	v44 =	vsel vm11, $0x1, v0;
	v46 =	vsel vm12, $0x1, v0  }
0x10c: {  	s3 =	simm.s32 $0x10;
	s0 =	simm.s32 $0x80;
	v32 =	vld [tilespmem:s2+$0xC180];
	v47 =	vsel vm13, $0x1, v0;
	v45 =	vsel vm14, $0x1, v0;
	v37 =	vsel vm3, $0x1, v0  }
.LBB2_17:
0x10d: {  	p1 =	sne.s32 s0, $0x1C0;
	v48 =	vld [tilespmem:s3+$0xC100];
	v18 =	vadd.s32 v33, v18;
	v19 =	vadd.s32 v34, v19;
	v20 =	vadd.s32 v35, v20  }
0x10e: {  	v21 =	vadd.s32 v36, v21;
	v22 =	vadd.s32 v37, v22;
	v23 =	vadd.s32 v38, v23  }
0x10f: {  	v24 =	vadd.s32 v39, v24;
	v25 =	vadd.s32 v40, v25;
	v26 =	vadd.s32 v41, v26  }
0x110: {  	v27 =	vadd.s32 v42, v27;
	v28 =	vadd.s32 v43, v28;
	v29 =	vadd.s32 v44, v29  }
0x111: {  	v30 =	vadd.s32 v46, v30;
	v31 =	vadd.s32 v47, v31;
	v32 =	vadd.s32 v45, v32  }
0x112: {  	vm0 =	veq.s32 v48, v13;
	vm1 =	veq.s32 v48, v17;
	vm2 =	veq.s32 v48, v1  }
0x113: {  	vm3 =	veq.s32 v48, v15;
	vm4 =	veq.s32 v48, v14;
	v33 =	vsel vm2, $0x1, v0  }
0x114: {  	vm5 =	veq.s32 v48, v12;
	vm2 =	veq.s32 v48, v16;
	v6 =	vadd.s32 v33, v6  }
0x115: {  	vm6 =	veq.s32 v48, v10;
	vm7 =	veq.s32 v48, v11;
	vm8 =	veq.s32 v48, v9  }
0x116: {  	vm9 =	veq.s32 v48, v7;
	vm10 =	veq.s32 v48, v8;
	vm11 =	veq.s32 v48, v5  }
0x117: {  	vm12 =	veq.s32 v48, v3;
	vm13 =	veq.s32 v48, v4;
	vm14 =	veq.s32 v48, v2  }
.Ltmp11:
0x118: {  	v34 =	vsel vm1, $0x1, v0;
	v35 =	vsel vm3, $0x1, v0;
	v33 =	vsel vm0, $0x1, v0;
	(pc) =	sbr.rel @p1 .LBB2_17-.Ltmp11, $4  }
0x119: {  	v36 =	vsel vm4, $0x1, v0;
	v38 =	vsel vm5, $0x1, v0;
	v37 =	vsel vm2, $0x1, v0  }
0x11a: {  	v39 =	vsel vm6, $0x1, v0;
	v40 =	vsel vm7, $0x1, v0;
	v41 =	vsel vm8, $0x1, v0  }
0x11b: {  	v42 =	vsel vm9, $0x1, v0;
	v43 =	vsel vm10, $0x1, v0;
	v44 =	vsel vm11, $0x1, v0  }
0x11c: {  	s3 =	sshra.s32 s0, $0x2;
	s0 =	sadd.s32 $0x40, s0;
	v46 =	vsel vm12, $0x1, v0;
	v47 =	vsel vm13, $0x1, v0;
	v45 =	vsel vm14, $0x1, v0  }
0x11d: {  	v48 =	vld [tilespmem:s3+$0xC100]  }
0x11e: {  	v18 =	vadd.s32 v33, v18;
	v19 =	vadd.s32 v34, v19;
	v20 =	vadd.s32 v35, v20  }
0x11f: {  	v21 =	vadd.s32 v36, v21;
	v22 =	vadd.s32 v37, v22;
	v23 =	vadd.s32 v38, v23  }
0x120: {  	v24 =	vadd.s32 v39, v24;
	v25 =	vadd.s32 v40, v25;
	v26 =	vadd.s32 v41, v26  }
0x121: {  	v27 =	vadd.s32 v42, v27;
	v28 =	vadd.s32 v43, v28;
	v29 =	vadd.s32 v44, v29  }
0x122: {  	v30 =	vadd.s32 v46, v30;
	v31 =	vadd.s32 v47, v31;
	vm0 =	veq.s32 v48, v13  }
0x123: {  	v50 =	vadd.s32 v45, v32;
	vm1 =	veq.s32 v48, v17;
	v51 =	vsel vm0, $0x1, v0  }
0x124: {  	vm14 =	veq.s32 v48, v15;
	v52 =	vsel vm1, $0x1, v0;
	v17 =	vadd.s32 v51, v18  }
0x125: {  	vm15 =	veq.s32 v48, v14;
	v53 =	vsel vm14, $0x1, v0;
	v15 =	vadd.s32 v52, v19;
	[tilespmem:s12+$0xC180] =	vst v17  }
0x126: {  	vm4 =	veq.s32 v48, v16;
	v54 =	vsel vm15, $0x1, v0;
	v14 =	vadd.s32 v53, v20;
	[tilespmem:s15+$0xC180] =	vst v15  }
0x127: {  	vm5 =	veq.s32 v48, v12;
	v55 =	vsel vm4, $0x1, v0;
	v56 =	vadd.s32 v54, v21;
	[tilespmem:s13+$0xC180] =	vst v14  }
0x128: {  	vm6 =	veq.s32 v48, v10;
	v57 =	vsel vm5, $0x1, v0;
	v12 =	vadd.s32 v55, v22;
	[tilespmem:s11+$0xC180] =	vst v56  }
0x129: {  	vm7 =	veq.s32 v48, v11;
	v58 =	vsel vm6, $0x1, v0;
	v10 =	vadd.s32 v57, v23;
	[tilespmem:s16+$0xC180] =	vst v12  }
0x12a: {  	vm8 =	veq.s32 v48, v9;
	v59 =	vsel vm7, $0x1, v0;
	v11 =	vadd.s32 v58, v24;
	[tilespmem:s17+$0xC180] =	vst v10  }
0x12b: {  	vm9 =	veq.s32 v48, v7;
	v60 =	vsel vm8, $0x1, v0;
	v9 =	vadd.s32 v59, v25;
	[tilespmem:s30+$0xC180] =	vst v11  }
0x12c: {  	vm10 =	veq.s32 v48, v8;
	v61 =	vsel vm9, $0x1, v0;
	v7 =	vadd.s32 v60, v26;
	[tilespmem:s18+$0xC180] =	vst v9  }
0x12d: {  	vm11 =	veq.s32 v48, v5;
	v62 =	vsel vm10, $0x1, v0;
	v8 =	vadd.s32 v61, v27;
	[tilespmem:s1+$0xC180] =	vst v7  }
0x12e: {  	s8 =	sadd.s32 $0x1, s8;
	vm12 =	veq.s32 v48, v3;
	v3 =	vsel vm11, $0x1, v0;
	v5 =	vadd.s32 v62, v28;
	[tilespmem:s20+$0xC180] =	vst v8  }
0x12f: {  	p1 =	sne.s32 s8, $0x4;
	vm13 =	veq.s32 v48, v4;
	v63 =	vsel vm12, $0x1, v0;
	v3 =	vadd.s32 v3, v29;
	[tilespmem:s21+$0xC180] =	vst v5  }
.Ltmp12:
0x130: {  	vm14 =	veq.s32 v48, v2;
	v2 =	vsel vm13, $0x1, v0;
	v4 =	vadd.s32 v63, v30;
	[tilespmem:s22+$0xC180] =	vst v3;
	(pc) =	sbr.rel @p1 .LBB2_16-.Ltmp12, $4  }
0x131: {  	vm15 =	veq.s32 v48, v1;
	v1 =	vsel vm14, $0x1, v0;
	v2 =	vadd.s32 v2, v31;
	[tilespmem:s23+$0xC180] =	vst v4  }
0x132: {  	v1 =	vadd.s32 v1, v50;
	v3 =	vsel vm15, $0x1, v0;
	[tilespmem:s19+$0xC180] =	vst v2  }
0x133: {  	v2 =	vadd.s32 v3, v6;
	[tilespmem:s2+$0xC180] =	vst v1  }
0x134: {  	[tilespmem:s10+$0xC180] =	vst v2  }
0x135: {  	_ =	swait.ge [sflag:s26], $0x4000;
	p1 =	sgt.u32 s7, $0x963  }
0x136: {  	[sflag:s26] =	ssyncset.done $0x0;
	s0 =	sadd.s32 @!p1 $0x60, s7  }
0x137: {  	s3 =	simm.s32 @!p1 $0x8000;
	[sflag:s26] =	ssyncadd.s32 $0xFFFFC000;
	s1 =	sshll.u32 @!p1 s0, $0xB  }
.Ltmp13:
0x138: {  	s0 =	sshll.u32 @!p1 s0, $0x4;
	s2 =	rddreg [dreg:$0x0];
	(pc) =	sbr.rel .LBB2_20-.Ltmp13, $4  }
0x139: {  	s0 =	sand.u32 @!p1 $0x1FF80, s0;
	s1 =	sadd.s32 @!p1 s2, s1;
	s2 =	simm.s32 @!p1 $0x0  }
0x13a: {  	[tilespmem:s3], [sflag:$0x3] =	stream.linear.gather @!p1 [hbm4b:s1+s2], $0x4000, $0x38;
	[tilespmem:$0xE380] =	vst v63  }
0x13b: {  	s0 =	sadd.s32 @!p1 s0, s14;
	s1 =	simm.s32 @!p1 $0xC100  }
0x13c: {  	[tilespmem:s1], [sflag:$0x3] =	stream.linear.gather @!p1 [hbm4b:s0+s2], $0x80, $0x38;
	[tilespmem:$0xE380] =	vst v63  }
.LBB2_22:
0x13d: {  	_ =	sfence.sel $0x180000  }
0x13e: {  	[bflag:$0x0] =	sbarrier.arrive $0xFFFF  }
0x13f: {  	_ =	strace $0x90000047  }
0x140: {  	[bflag:$0x2] =	sbarrier.arrive $0xFFFF  }
0x141: {  	s0 =	rddreg [dreg:$0x6]  }
0x142: {  	s0 =	sadd.s32 @!p0 $0x100000, s0  }
0x143: {  	[sflag:s0] =	ssyncadd.tile.s32 @!p0 $0x1;
	_ =	shalt  }
.Lfunc_end2:
_tile_overlayer_lowered:
.L_overlay_start_2:
0x144: {  	(tag) =	ssettag $0x2  }
0x145: {  	s0 =	rddreg [dreg:$0x0];
	s2 =	stileid.u32  }
0x146: {  	s1 =	rddreg [dreg:$0x1];
	p0 =	sne.s32 s2, $0x0  }
0x147: {  	s3 =	rddreg [dreg:$0x2];
	[bflag:$0x3] =	sbarrier.arrive $0xFFFF;
	s2 =	simm.s32 @!p0 $0x1C05  }
0x148: {  	[timem:s3], [sflag:s2] =	dma.local @!p0 [hbm:s0], s1  }
0x149: {  	s0 =	simm.s32 @!p0 $0x5  }
0x14a: {  	_ =	swait.ge @!p0 [sflag:s0], s1  }
0x14b: {  	s1 =	ssub.s32 @!p0 $0x0, s1;
	[sflag:s0] =	ssyncset.done @!p0 $0x0  }
0x14c: {  	[sflag:s0] =	ssyncadd.s32 @!p0 s1  }
0x14d: {  	[bflag:$0x3] =	sbarrier.arrive $0xFFFF  }
0x14e: {  	_ =	shalt  }

</sc_bundles>
